<compile_context>
chip_gen: v7x
topology: tpu7x:2x2x1
jax: 0.10.2.dev20260603
libtpu: 0.0.44.dev20260713+nightly
codegen_flags: <defaults>
</compile_context>

<pallas_src>
import functools

import jax
import jax.numpy as jnp
from jax import lax
from jax.experimental import pallas as pl
from jax.experimental.pallas import tpu as pltpu
from jax.experimental.pallas import tpu_sc as plsc

D_FEAT = 128
D_EDGE = 16
OUT_DIM = 128
_SC_BLOCK = 128


def _nodeproj_body(nf, ws, wd, ps, pd):
    x = nf[...]
    ps[...] = jnp.dot(x, ws[...], preferred_element_type=jnp.float32)
    pd[...] = jnp.dot(x, wd[...], preferred_element_type=jnp.float32)


def _node_projections(node_feat, W_s, W_d):
    N = node_feat.shape[0]
    BLK = 2000
    return pl.pallas_call(
        _nodeproj_body,
        grid=(N // BLK,),
        in_specs=[
            pl.BlockSpec((BLK, D_FEAT), lambda i: (i, 0)),
            pl.BlockSpec((D_FEAT, OUT_DIM), lambda i: (0, 0)),
            pl.BlockSpec((D_FEAT, OUT_DIM), lambda i: (0, 0)),
        ],
        out_specs=[
            pl.BlockSpec((BLK, OUT_DIM), lambda i: (i, 0)),
            pl.BlockSpec((BLK, OUT_DIM), lambda i: (i, 0)),
        ],
        out_shape=[
            jax.ShapeDtypeStruct((N, OUT_DIM), jnp.float32),
            jax.ShapeDtypeStruct((N, OUT_DIM), jnp.float32),
        ],
    )(node_feat, W_s, W_d)


def _make_gather_sum(E):
    info = plsc.get_sparse_core_info()
    NC, NS = info.num_cores, info.num_subcores
    NW = NC * NS
    B = _SC_BLOCK
    nblk = E // B
    mesh = plsc.VectorSubcoreMesh(core_axis_name="c", subcore_axis_name="s")

    Q, R = divmod(nblk, 32)
    NMAX = Q + (1 if R else 0)

    @functools.partial(
        pl.kernel,
        mesh=mesh,
        out_type=jax.ShapeDtypeStruct((E, OUT_DIM), jnp.float32),
        scratch_types=[
            pltpu.VMEM((NMAX * B,), jnp.int32),
            pltpu.VMEM((NMAX * B,), jnp.int32),
            pltpu.VMEM((B, OUT_DIM), jnp.float32),
            pltpu.VMEM((B, OUT_DIM), jnp.float32),
            pltpu.VMEM((B, OUT_DIM), jnp.float32),
            pltpu.VMEM((B, OUT_DIM), jnp.float32),
            pltpu.VMEM((B, OUT_DIM), jnp.float32),
            pltpu.VMEM((B, OUT_DIM), jnp.float32),
            pltpu.SemaphoreType.DMA,
            pltpu.SemaphoreType.DMA,
            pltpu.SemaphoreType.DMA,
            pltpu.SemaphoreType.DMA,
        ],
    )
    def gather_sum(ps_hbm, pd_hbm, src_hbm, dst_hbm, g_hbm,
                   idx_s, idx_d, buf_s0, buf_s1, buf_d0, buf_d1,
                   buf_o0, buf_o1, sem_g0, sem_g1, sem_w0, sem_w1):
        wid = lax.axis_index("s") * NC + lax.axis_index("c")
        my_n = Q + jnp.where(wid < R, 1, 0)
        start = wid * Q + jnp.minimum(wid, R)
        estart = start * B
        pltpu.sync_copy(src_hbm.at[pl.ds(estart, Q * B)],
                        idx_s.at[pl.ds(0, Q * B)])
        pltpu.sync_copy(dst_hbm.at[pl.ds(estart, Q * B)],
                        idx_d.at[pl.ds(0, Q * B)])

        @pl.when(my_n > Q)
        def _():
            pltpu.sync_copy(src_hbm.at[pl.ds(estart + Q * B, B)],
                            idx_s.at[pl.ds(Q * B, B)])
            pltpu.sync_copy(dst_hbm.at[pl.ds(estart + Q * B, B)],
                            idx_d.at[pl.ds(Q * B, B)])

        bufs = ((buf_s0, buf_d0, buf_o0, sem_g0, sem_w0),
                (buf_s1, buf_d1, buf_o1, sem_g1, sem_w1))

        def issue(slot, i, guard):
            bs, bd, _, sg, _ = bufs[slot]

            def _go():
                pltpu.async_copy(ps_hbm.at[idx_s.at[pl.ds(i * B, B)]], bs, sg)
                pltpu.async_copy(pd_hbm.at[idx_d.at[pl.ds(i * B, B)]], bd, sg)

            if guard:
                pl.when(i < my_n)(_go)
            else:
                _go()

        def finish(slot, i, wait_prev_wb):
            bs, bd, bo, sg, sw = bufs[slot]

            @pl.when(i < my_n)
            def _():
                base = (start + i) * B
                pltpu.make_async_copy(ps_hbm.at[pl.ds(0, B)], bs, sg).wait()
                pltpu.make_async_copy(pd_hbm.at[pl.ds(0, B)], bd, sg).wait()
                if wait_prev_wb:
                    pltpu.make_async_copy(bo, g_hbm.at[pl.ds(0, B)],
                                          sw).wait()

                def row_body(r, rcarry):
                    for c in range(OUT_DIM // 16):
                        sl = pl.ds(c * 16, 16)
                        bo[r, sl] = bs[r, sl] + bd[r, sl]
                    return rcarry

                lax.fori_loop(0, B, row_body, 0)
                pltpu.async_copy(bo, g_hbm.at[pl.ds(base, B)], sw)

        issue(0, 0, guard=False)
        issue(1, 1, guard=False)
        finish(0, 0, wait_prev_wb=False)
        issue(0, 2, guard=True)
        finish(1, 1, wait_prev_wb=False)
        issue(1, 3, guard=True)

        def pair_body(p, carry):
            i0 = p * 2
            finish(0, i0, wait_prev_wb=True)
            issue(0, i0 + 2, guard=True)
            finish(1, i0 + 1, wait_prev_wb=True)
            issue(1, i0 + 3, guard=True)
            return carry

        lax.fori_loop(1, (NMAX + 1) // 2 + 1, pair_body, 0)

    return gather_sum


def _edge_body(ea, we, bb, g, out):
    out[...] = (g[...]
                + jnp.dot(ea[...], we[...], preferred_element_type=jnp.float32)
                + bb[...])


def _edge_combine(edge_attr, W_e, b2d, G):
    E = edge_attr.shape[0]
    BLK = 8000
    return pl.pallas_call(
        _edge_body,
        grid=(E // BLK,),
        in_specs=[
            pl.BlockSpec((BLK, D_EDGE), lambda i: (i, 0)),
            pl.BlockSpec((D_EDGE, OUT_DIM), lambda i: (0, 0)),
            pl.BlockSpec((1, OUT_DIM), lambda i: (0, 0)),
            pl.BlockSpec((BLK, OUT_DIM), lambda i: (i, 0)),
        ],
        out_specs=pl.BlockSpec((BLK, OUT_DIM), lambda i: (i, 0)),
        out_shape=jax.ShapeDtypeStruct((E, OUT_DIM), jnp.float32),
    )(edge_attr, W_e, b2d, G)


def kernel(node_feat, edge_attr, edge_index, W, b):
    W_e = W[:D_EDGE]
    W_s = W[D_EDGE:D_EDGE + D_FEAT]
    W_d = W[D_EDGE + D_FEAT:]
    src = edge_index[0]
    dst = edge_index[1]
    ps, pd = _node_projections(node_feat, W_s, W_d)
    G = _make_gather_sum(edge_attr.shape[0])(ps, pd, src, dst)
    return _edge_combine(edge_attr, W_e, b.reshape(1, OUT_DIM), G)

# --- scband reference (transcript-rebuilt; emitter-appended) ---
"""Pipeline reference for scband-discriminator-edge-net-17231408792147 (READ-ONLY COPY).

The authoritative reference and input builder live on the scoring server;
editing this copy changes nothing except your own understanding.
"""

import jax, jax.numpy as jnp
import numpy as np

N_NODES = 10000
N_EDGES = 320000
D_FEAT = 128
D_EDGE = 16
OUT_DIM = 128
IN_DIM = D_EDGE + 2 * D_FEAT  # EdgeFeatureExpansion default: concat(edge_attr, x_src, x_dst)


def setup_inputs(seed: int = 0) -> dict:
    key = jax.random.key(seed)
    k1, k2, k3, k4 = jax.random.split(key, 4)
    node_feat = jax.random.normal(k1, (N_NODES, D_FEAT), dtype=jnp.float32)
    edge_attr = jax.random.normal(k2, (N_EDGES, D_EDGE), dtype=jnp.float32)
    edge_index = jax.random.randint(k3, (2, N_EDGES), 0, N_NODES, dtype=jnp.int32)
    # MLP params: hidden_depth=0 -> single Linear(IN_DIM, OUT_DIM), no out activation
    W = jax.random.normal(k4, (IN_DIM, OUT_DIM), dtype=jnp.float32) / jnp.sqrt(IN_DIM)
    b = jnp.zeros((OUT_DIM,), dtype=jnp.float32)
    return {"node_feat": node_feat, "edge_attr": edge_attr, "edge_index": edge_index, "W": W, "b": b}


def reference(node_feat, edge_attr, edge_index, W, b):
    # EdgeFeatureExpansion: gather endpoint node features per edge and concat with edge_attr
    src = jnp.take(node_feat, edge_index[0], axis=0)   # [E, D_FEAT]
    dst = jnp.take(node_feat, edge_index[1], axis=0)   # [E, D_FEAT]
    feats = jnp.concatenate([edge_attr, src, dst], axis=-1)  # [E, IN_DIM]
    # MLP with hidden_depth=0: single linear projection, out_act=None
    out = feats @ W + b                                 # [E, OUT_DIM]
    return out

if __name__ == "__main__":
    import jax
    _d = setup_inputs()
    print(jax.jit(kernel)(*tuple(_d.values())))

</pallas_src>

<mosaic_0001>
#map = affine_map<(d0, d1) -> (0, 0)>
#map1 = affine_map<(d0, d1) -> (0)>
module attributes {stable_mosaic.version = 14 : i64} {
  func.func @gather_sum(%arg0: i32, %arg1: i32, %arg2: memref<10000x128xf32, #tpu.memory_space<hbm>>, %arg3: memref<10000x128xf32, #tpu.memory_space<hbm>>, %arg4: memref<320000xi32, #tpu.memory_space<hbm>>, %arg5: memref<320000xi32, #tpu.memory_space<hbm>>, %arg6: memref<320000x128xf32, #tpu.memory_space<hbm>>, %arg7: memref<10112xi32, #tpu.memory_space<vmem>>, %arg8: memref<10112xi32, #tpu.memory_space<vmem>>, %arg9: memref<128x128xf32, #tpu.memory_space<vmem>>, %arg10: memref<128x128xf32, #tpu.memory_space<vmem>>, %arg11: memref<128x128xf32, #tpu.memory_space<vmem>>, %arg12: memref<128x128xf32, #tpu.memory_space<vmem>>, %arg13: memref<128x128xf32, #tpu.memory_space<vmem>>, %arg14: memref<128x128xf32, #tpu.memory_space<vmem>>, %arg15: memref<!tpu.dma_semaphore, #tpu.memory_space<semaphore_mem>>, %arg16: memref<!tpu.dma_semaphore, #tpu.memory_space<semaphore_mem>>, %arg17: memref<!tpu.dma_semaphore, #tpu.memory_space<semaphore_mem>>, %arg18: memref<!tpu.dma_semaphore, #tpu.memory_space<semaphore_mem>>) attributes {dimension_semantics = [#tpu.dimension_semantics<core_parallel>, #tpu.dimension_semantics<subcore_parallel>], iteration_bounds = array<i64: 2, 16>, scalar_prefetch = 0 : i64, scratch_operands = 12 : i64, tpu.core_type = #tpu.core_type<sc_vector_subcore>, window_params = [{transform_indices = #map}, {transform_indices = #map}, {transform_indices = #map1}, {transform_indices = #map1}, {transform_indices = #map}]} {
    %mul3A = arith.constant 2 : i32
    %mul3A_0 = arith.muli %arg1, %mul3A : i32
    %add3A = arith.addi %mul3A_0, %arg0 : i32
    %lt3A = arith.constant 4 : i32
    %lt3A_1 = arith.cmpi slt, %add3A, %lt3A : i32
    %jit3A = arith.constant 1 : i32
    %jit3A_2 = arith.constant 0 : i32
    %select_n3A = arith.select %lt3A_1, %jit3A, %jit3A_2 : i32
    %add3A_3 = arith.constant 78 : i32
    %add3A_4 = arith.addi %add3A_3, %select_n3A : i32
    %mul3A_5 = arith.constant 78 : i32
    %mul3A_6 = arith.muli %add3A, %mul3A_5 : i32
    %min3A = arith.constant 4 : i32
    %min3A_7 = arith.minsi %add3A, %min3A : i32
    %add3A_8 = arith.addi %mul3A_6, %min3A_7 : i32
    %mul3A_9 = arith.constant 128 : i32
    %mul3A_10 = arith.muli %add3A_8, %mul3A_9 : i32
    "tpu.region"() ({
      %run_scoped3A = tpu.sem_alloc : memref<!tpu.dma_semaphore, #tpu.memory_space<semaphore_mem>>
      %dma_start3A_57 = arith.constant 0 : i32
      %dma_start3A_58 = tpu.memref_slice %arg7[%dma_start3A_57] : memref<10112xi32, #tpu.memory_space<vmem>> -> memref<9984xi32, #tpu.memory_space<vmem>>
      %dma_start3A_59 = tpu.memref_slice %arg4[%mul3A_10] : memref<320000xi32, #tpu.memory_space<hbm>> -> memref<9984xi32, #tpu.memory_space<hbm>>
      %dma_start3A_60 = arith.constant 0 : i32
      %dma_start3A_61 = tpu.memref_slice %arg7[%dma_start3A_60] : memref<10112xi32, #tpu.memory_space<vmem>> -> memref<9984xi32, #tpu.memory_space<vmem>>
      %dma_start3A_62 = tpu.memref_slice %arg4[%mul3A_10] : memref<320000xi32, #tpu.memory_space<hbm>> -> memref<9984xi32, #tpu.memory_space<hbm>>
      tpu.enqueue_dma source(%dma_start3A_62 : memref<9984xi32, #tpu.memory_space<hbm>>) target(%dma_start3A_61 : memref<9984xi32, #tpu.memory_space<vmem>>) target_semaphore(%run_scoped3A : memref<!tpu.dma_semaphore, #tpu.memory_space<semaphore_mem>>)
      %dma_wait3A = arith.constant 0 : i32
      %dma_wait3A_63 = tpu.memref_slice %arg7[%dma_wait3A] : memref<10112xi32, #tpu.memory_space<vmem>> -> memref<9984xi32, #tpu.memory_space<vmem>>
      %dma_wait3A_64 = tpu.memref_slice %arg4[%mul3A_10] : memref<320000xi32, #tpu.memory_space<hbm>> -> memref<9984xi32, #tpu.memory_space<hbm>>
      %dma_wait3A_65 = arith.constant 0 : i32
      %dma_wait3A_66 = tpu.memref_slice %arg7[%dma_wait3A_65] : memref<10112xi32, #tpu.memory_space<vmem>> -> memref<9984xi32, #tpu.memory_space<vmem>>
      %dma_wait3A_67 = tpu.memref_slice %arg4[%mul3A_10] : memref<320000xi32, #tpu.memory_space<hbm>> -> memref<9984xi32, #tpu.memory_space<hbm>>
      tpu.wait_dma2 semaphore(%run_scoped3A : memref<!tpu.dma_semaphore, #tpu.memory_space<semaphore_mem>>) src(%dma_wait3A_67 : memref<9984xi32, #tpu.memory_space<hbm>>) dst(%dma_wait3A_66 : memref<9984xi32, #tpu.memory_space<vmem>>)
      tpu.yield
    }) : () -> ()
    "tpu.region"() ({
      %run_scoped3A = tpu.sem_alloc : memref<!tpu.dma_semaphore, #tpu.memory_space<semaphore_mem>>
      %dma_start3A_57 = arith.constant 0 : i32
      %dma_start3A_58 = tpu.memref_slice %arg8[%dma_start3A_57] : memref<10112xi32, #tpu.memory_space<vmem>> -> memref<9984xi32, #tpu.memory_space<vmem>>
      %dma_start3A_59 = tpu.memref_slice %arg5[%mul3A_10] : memref<320000xi32, #tpu.memory_space<hbm>> -> memref<9984xi32, #tpu.memory_space<hbm>>
      %dma_start3A_60 = arith.constant 0 : i32
      %dma_start3A_61 = tpu.memref_slice %arg8[%dma_start3A_60] : memref<10112xi32, #tpu.memory_space<vmem>> -> memref<9984xi32, #tpu.memory_space<vmem>>
      %dma_start3A_62 = tpu.memref_slice %arg5[%mul3A_10] : memref<320000xi32, #tpu.memory_space<hbm>> -> memref<9984xi32, #tpu.memory_space<hbm>>
      tpu.enqueue_dma source(%dma_start3A_62 : memref<9984xi32, #tpu.memory_space<hbm>>) target(%dma_start3A_61 : memref<9984xi32, #tpu.memory_space<vmem>>) target_semaphore(%run_scoped3A : memref<!tpu.dma_semaphore, #tpu.memory_space<semaphore_mem>>)
      %dma_wait3A = arith.constant 0 : i32
      %dma_wait3A_63 = tpu.memref_slice %arg8[%dma_wait3A] : memref<10112xi32, #tpu.memory_space<vmem>> -> memref<9984xi32, #tpu.memory_space<vmem>>
      %dma_wait3A_64 = tpu.memref_slice %arg5[%mul3A_10] : memref<320000xi32, #tpu.memory_space<hbm>> -> memref<9984xi32, #tpu.memory_space<hbm>>
      %dma_wait3A_65 = arith.constant 0 : i32
      %dma_wait3A_66 = tpu.memref_slice %arg8[%dma_wait3A_65] : memref<10112xi32, #tpu.memory_space<vmem>> -> memref<9984xi32, #tpu.memory_space<vmem>>
      %dma_wait3A_67 = tpu.memref_slice %arg5[%mul3A_10] : memref<320000xi32, #tpu.memory_space<hbm>> -> memref<9984xi32, #tpu.memory_space<hbm>>
      tpu.wait_dma2 semaphore(%run_scoped3A : memref<!tpu.dma_semaphore, #tpu.memory_space<semaphore_mem>>) src(%dma_wait3A_67 : memref<9984xi32, #tpu.memory_space<hbm>>) dst(%dma_wait3A_66 : memref<9984xi32, #tpu.memory_space<vmem>>)
      tpu.yield
    }) : () -> ()
    %gt3A = arith.constant 78 : i32
    %gt3A_11 = arith.cmpi sgt, %add3A_4, %gt3A : i32
    %convert_element_type3A = arith.extui %gt3A_11 : i1 to i32
    %cond3A = arith.constant 0 : i32
    %cond3A_12 = arith.cmpi ne, %convert_element_type3A, %cond3A : i32
    scf.if %cond3A_12 {
      %add3A_57 = arith.constant 9984 : i32
      %add3A_58 = arith.addi %mul3A_10, %add3A_57 : i32
      "tpu.region"() ({
        %run_scoped3A = tpu.sem_alloc : memref<!tpu.dma_semaphore, #tpu.memory_space<semaphore_mem>>
        %dma_start3A_61 = arith.constant 9984 : i32
        %dma_start3A_62 = tpu.memref_slice %arg7[%dma_start3A_61] : memref<10112xi32, #tpu.memory_space<vmem>> -> memref<128xi32, #tpu.memory_space<vmem>>
        %dma_start3A_63 = tpu.memref_slice %arg4[%add3A_58] : memref<320000xi32, #tpu.memory_space<hbm>> -> memref<128xi32, #tpu.memory_space<hbm>>
        %dma_start3A_64 = arith.constant 9984 : i32
        %dma_start3A_65 = tpu.memref_slice %arg7[%dma_start3A_64] : memref<10112xi32, #tpu.memory_space<vmem>> -> memref<128xi32, #tpu.memory_space<vmem>>
        %dma_start3A_66 = tpu.memref_slice %arg4[%add3A_58] : memref<320000xi32, #tpu.memory_space<hbm>> -> memref<128xi32, #tpu.memory_space<hbm>>
        tpu.enqueue_dma source(%dma_start3A_66 : memref<128xi32, #tpu.memory_space<hbm>>) target(%dma_start3A_65 : memref<128xi32, #tpu.memory_space<vmem>>) target_semaphore(%run_scoped3A : memref<!tpu.dma_semaphore, #tpu.memory_space<semaphore_mem>>)
        %dma_wait3A = arith.constant 9984 : i32
        %dma_wait3A_67 = tpu.memref_slice %arg7[%dma_wait3A] : memref<10112xi32, #tpu.memory_space<vmem>> -> memref<128xi32, #tpu.memory_space<vmem>>
        %dma_wait3A_68 = tpu.memref_slice %arg4[%add3A_58] : memref<320000xi32, #tpu.memory_space<hbm>> -> memref<128xi32, #tpu.memory_space<hbm>>
        %dma_wait3A_69 = arith.constant 9984 : i32
        %dma_wait3A_70 = tpu.memref_slice %arg7[%dma_wait3A_69] : memref<10112xi32, #tpu.memory_space<vmem>> -> memref<128xi32, #tpu.memory_space<vmem>>
        %dma_wait3A_71 = tpu.memref_slice %arg4[%add3A_58] : memref<320000xi32, #tpu.memory_space<hbm>> -> memref<128xi32, #tpu.memory_space<hbm>>
        tpu.wait_dma2 semaphore(%run_scoped3A : memref<!tpu.dma_semaphore, #tpu.memory_space<semaphore_mem>>) src(%dma_wait3A_71 : memref<128xi32, #tpu.memory_space<hbm>>) dst(%dma_wait3A_70 : memref<128xi32, #tpu.memory_space<vmem>>)
        tpu.yield
      }) : () -> ()
      %add3A_59 = arith.constant 9984 : i32
      %add3A_60 = arith.addi %mul3A_10, %add3A_59 : i32
      "tpu.region"() ({
        %run_scoped3A = tpu.sem_alloc : memref<!tpu.dma_semaphore, #tpu.memory_space<semaphore_mem>>
        %dma_start3A_61 = arith.constant 9984 : i32
        %dma_start3A_62 = tpu.memref_slice %arg8[%dma_start3A_61] : memref<10112xi32, #tpu.memory_space<vmem>> -> memref<128xi32, #tpu.memory_space<vmem>>
        %dma_start3A_63 = tpu.memref_slice %arg5[%add3A_60] : memref<320000xi32, #tpu.memory_space<hbm>> -> memref<128xi32, #tpu.memory_space<hbm>>
        %dma_start3A_64 = arith.constant 9984 : i32
        %dma_start3A_65 = tpu.memref_slice %arg8[%dma_start3A_64] : memref<10112xi32, #tpu.memory_space<vmem>> -> memref<128xi32, #tpu.memory_space<vmem>>
        %dma_start3A_66 = tpu.memref_slice %arg5[%add3A_60] : memref<320000xi32, #tpu.memory_space<hbm>> -> memref<128xi32, #tpu.memory_space<hbm>>
        tpu.enqueue_dma source(%dma_start3A_66 : memref<128xi32, #tpu.memory_space<hbm>>) target(%dma_start3A_65 : memref<128xi32, #tpu.memory_space<vmem>>) target_semaphore(%run_scoped3A : memref<!tpu.dma_semaphore, #tpu.memory_space<semaphore_mem>>)
        %dma_wait3A = arith.constant 9984 : i32
        %dma_wait3A_67 = tpu.memref_slice %arg8[%dma_wait3A] : memref<10112xi32, #tpu.memory_space<vmem>> -> memref<128xi32, #tpu.memory_space<vmem>>
        %dma_wait3A_68 = tpu.memref_slice %arg5[%add3A_60] : memref<320000xi32, #tpu.memory_space<hbm>> -> memref<128xi32, #tpu.memory_space<hbm>>
        %dma_wait3A_69 = arith.constant 9984 : i32
        %dma_wait3A_70 = tpu.memref_slice %arg8[%dma_wait3A_69] : memref<10112xi32, #tpu.memory_space<vmem>> -> memref<128xi32, #tpu.memory_space<vmem>>
        %dma_wait3A_71 = tpu.memref_slice %arg5[%add3A_60] : memref<320000xi32, #tpu.memory_space<hbm>> -> memref<128xi32, #tpu.memory_space<hbm>>
        tpu.wait_dma2 semaphore(%run_scoped3A : memref<!tpu.dma_semaphore, #tpu.memory_space<semaphore_mem>>) src(%dma_wait3A_71 : memref<128xi32, #tpu.memory_space<hbm>>) dst(%dma_wait3A_70 : memref<128xi32, #tpu.memory_space<vmem>>)
        tpu.yield
      }) : () -> ()
    } else {
    }
    %dma_start3A = arith.constant 0 : i32
    %dma_start3A_13 = tpu.memref_slice %arg7[%dma_start3A] : memref<10112xi32, #tpu.memory_space<vmem>> -> memref<128xi32, #tpu.memory_space<vmem>>
    %dma_start3A_14 = arith.constant 0 : i32
    %dma_start3A_15 = arith.constant 0 : i32
    %dma_start3A_16 = tpu.memref_slice %arg2[%dma_start3A_14, %dma_start3A_15] : memref<10000x128xf32, #tpu.memory_space<hbm>> -> memref<10000x128xf32, #tpu.memory_space<hbm>>
    tpu.enqueue_indirect_dma source(%dma_start3A_16 : memref<10000x128xf32, #tpu.memory_space<hbm>>) target(%arg9 : memref<128x128xf32, #tpu.memory_space<vmem>>) offsets(%dma_start3A_13 : memref<128xi32, #tpu.memory_space<vmem>>) semaphore(%arg15 : memref<!tpu.dma_semaphore, #tpu.memory_space<semaphore_mem>>)
    %dma_start3A_17 = arith.constant 0 : i32
    %dma_start3A_18 = tpu.memref_slice %arg8[%dma_start3A_17] : memref<10112xi32, #tpu.memory_space<vmem>> -> memref<128xi32, #tpu.memory_space<vmem>>
    %dma_start3A_19 = arith.constant 0 : i32
    %dma_start3A_20 = arith.constant 0 : i32
    %dma_start3A_21 = tpu.memref_slice %arg3[%dma_start3A_19, %dma_start3A_20] : memref<10000x128xf32, #tpu.memory_space<hbm>> -> memref<10000x128xf32, #tpu.memory_space<hbm>>
    tpu.enqueue_indirect_dma source(%dma_start3A_21 : memref<10000x128xf32, #tpu.memory_space<hbm>>) target(%arg11 : memref<128x128xf32, #tpu.memory_space<vmem>>) offsets(%dma_start3A_18 : memref<128xi32, #tpu.memory_space<vmem>>) semaphore(%arg15 : memref<!tpu.dma_semaphore, #tpu.memory_space<semaphore_mem>>)
    %dma_start3A_22 = arith.constant 128 : i32
    %dma_start3A_23 = tpu.memref_slice %arg7[%dma_start3A_22] : memref<10112xi32, #tpu.memory_space<vmem>> -> memref<128xi32, #tpu.memory_space<vmem>>
    %dma_start3A_24 = arith.constant 0 : i32
    %dma_start3A_25 = arith.constant 0 : i32
    %dma_start3A_26 = tpu.memref_slice %arg2[%dma_start3A_24, %dma_start3A_25] : memref<10000x128xf32, #tpu.memory_space<hbm>> -> memref<10000x128xf32, #tpu.memory_space<hbm>>
    tpu.enqueue_indirect_dma source(%dma_start3A_26 : memref<10000x128xf32, #tpu.memory_space<hbm>>) target(%arg10 : memref<128x128xf32, #tpu.memory_space<vmem>>) offsets(%dma_start3A_23 : memref<128xi32, #tpu.memory_space<vmem>>) semaphore(%arg16 : memref<!tpu.dma_semaphore, #tpu.memory_space<semaphore_mem>>)
    %dma_start3A_27 = arith.constant 128 : i32
    %dma_start3A_28 = tpu.memref_slice %arg8[%dma_start3A_27] : memref<10112xi32, #tpu.memory_space<vmem>> -> memref<128xi32, #tpu.memory_space<vmem>>
    %dma_start3A_29 = arith.constant 0 : i32
    %dma_start3A_30 = arith.constant 0 : i32
    %dma_start3A_31 = tpu.memref_slice %arg3[%dma_start3A_29, %dma_start3A_30] : memref<10000x128xf32, #tpu.memory_space<hbm>> -> memref<10000x128xf32, #tpu.memory_space<hbm>>
    tpu.enqueue_indirect_dma source(%dma_start3A_31 : memref<10000x128xf32, #tpu.memory_space<hbm>>) target(%arg12 : memref<128x128xf32, #tpu.memory_space<vmem>>) offsets(%dma_start3A_28 : memref<128xi32, #tpu.memory_space<vmem>>) semaphore(%arg16 : memref<!tpu.dma_semaphore, #tpu.memory_space<semaphore_mem>>)
    %gt3A_32 = arith.constant 0 : i32
    %gt3A_33 = arith.cmpi sgt, %add3A_4, %gt3A_32 : i32
    %convert_element_type3A_34 = arith.extui %gt3A_33 : i1 to i32
    %cond3A_35 = arith.constant 0 : i32
    %cond3A_36 = arith.cmpi ne, %convert_element_type3A_34, %cond3A_35 : i32
    scf.if %cond3A_36 {
      %add3A_57 = arith.constant 0 : i32
      %add3A_58 = arith.addi %add3A_8, %add3A_57 : i32
      %mul3A_59 = arith.constant 128 : i32
      %mul3A_60 = arith.muli %add3A_58, %mul3A_59 : i32
      %dma_wait3A = arith.constant 0 : i32
      %dma_wait3A_61 = arith.constant 0 : i32
      %dma_wait3A_62 = tpu.memref_slice %arg2[%dma_wait3A, %dma_wait3A_61] : memref<10000x128xf32, #tpu.memory_space<hbm>> -> memref<128x128xf32, #tpu.memory_space<hbm>>
      %dma_wait3A_63 = arith.constant 0 : i32
      %dma_wait3A_64 = arith.constant 0 : i32
      %dma_wait3A_65 = tpu.memref_slice %arg2[%dma_wait3A_63, %dma_wait3A_64] : memref<10000x128xf32, #tpu.memory_space<hbm>> -> memref<128x128xf32, #tpu.memory_space<hbm>>
      tpu.wait_dma2 semaphore(%arg15 : memref<!tpu.dma_semaphore, #tpu.memory_space<semaphore_mem>>) src(%dma_wait3A_65 : memref<128x128xf32, #tpu.memory_space<hbm>>) dst(%arg9 : memref<128x128xf32, #tpu.memory_space<vmem>>)
      %dma_wait3A_66 = arith.constant 0 : i32
      %dma_wait3A_67 = arith.constant 0 : i32
      %dma_wait3A_68 = tpu.memref_slice %arg3[%dma_wait3A_66, %dma_wait3A_67] : memref<10000x128xf32, #tpu.memory_space<hbm>> -> memref<128x128xf32, #tpu.memory_space<hbm>>
      %dma_wait3A_69 = arith.constant 0 : i32
      %dma_wait3A_70 = arith.constant 0 : i32
      %dma_wait3A_71 = tpu.memref_slice %arg3[%dma_wait3A_69, %dma_wait3A_70] : memref<10000x128xf32, #tpu.memory_space<hbm>> -> memref<128x128xf32, #tpu.memory_space<hbm>>
      tpu.wait_dma2 semaphore(%arg15 : memref<!tpu.dma_semaphore, #tpu.memory_space<semaphore_mem>>) src(%dma_wait3A_71 : memref<128x128xf32, #tpu.memory_space<hbm>>) dst(%arg11 : memref<128x128xf32, #tpu.memory_space<vmem>>)
      %scan3A_72 = arith.constant 0 : i32
      %scan3A_73 = arith.constant 0 : i32
      %scan3A_74 = arith.constant 128 : i32
      %scan3A_75 = arith.addi %scan3A_73, %scan3A_74 : i32
      %scan3A_76 = arith.constant 1 : i32
      scf.for %scan3A_82 = %scan3A_73 to %scan3A_75 step %scan3A_76  : i32 {
        %get3A = arith.index_cast %scan3A_82 : i32 to index
        %get3A_83 = arith.constant 0 : index
        %get3A_84 = tpu.vector_load %arg9[%get3A, %get3A_83] {strides = array<i32>} : memref<128x128xf32, #tpu.memory_space<vmem>>, vector<1x16xf32>,
        %get3A_85 = vector.shape_cast %get3A_84 : vector<1x16xf32> to vector<16xf32>
        %get3A_86 = arith.index_cast %scan3A_82 : i32 to index
        %get3A_87 = arith.constant 0 : index
        %get3A_88 = tpu.vector_load %arg11[%get3A_86, %get3A_87] {strides = array<i32>} : memref<128x128xf32, #tpu.memory_space<vmem>>, vector<1x16xf32>,
        %get3A_89 = vector.shape_cast %get3A_88 : vector<1x16xf32> to vector<16xf32>
        %add3A_90 = arith.addf %get3A_85, %get3A_89 : vector<16xf32>
        %swap3A = arith.index_cast %scan3A_82 : i32 to index
        %swap3A_91 = arith.constant 0 : index
        %swap3A_92 = tpu.vector_load %arg13[%swap3A, %swap3A_91] {strides = array<i32>} : memref<128x128xf32, #tpu.memory_space<vmem>>, vector<1x16xf32>,
        %swap3A_93 = vector.shape_cast %swap3A_92 : vector<1x16xf32> to vector<16xf32>
        %swap3A_94 = vector.shape_cast %add3A_90 : vector<16xf32> to vector<1x16xf32>
        tpu.vector_store %arg13[%swap3A, %swap3A_91], %swap3A_94 {strides = array<i32>} : memref<128x128xf32, #tpu.memory_space<vmem>>, vector<1x16xf32>,
        %get3A_95 = arith.index_cast %scan3A_82 : i32 to index
        %get3A_96 = arith.constant 16 : index
        %get3A_97 = tpu.vector_load %arg9[%get3A_95, %get3A_96] {strides = array<i32>} : memref<128x128xf32, #tpu.memory_space<vmem>>, vector<1x16xf32>,
        %get3A_98 = vector.shape_cast %get3A_97 : vector<1x16xf32> to vector<16xf32>
        %get3A_99 = arith.index_cast %scan3A_82 : i32 to index
        %get3A_100 = arith.constant 16 : index
        %get3A_101 = tpu.vector_load %arg11[%get3A_99, %get3A_100] {strides = array<i32>} : memref<128x128xf32, #tpu.memory_space<vmem>>, vector<1x16xf32>,
        %get3A_102 = vector.shape_cast %get3A_101 : vector<1x16xf32> to vector<16xf32>
        %add3A_103 = arith.addf %get3A_98, %get3A_102 : vector<16xf32>
        %swap3A_104 = arith.index_cast %scan3A_82 : i32 to index
        %swap3A_105 = arith.constant 16 : index
        %swap3A_106 = tpu.vector_load %arg13[%swap3A_104, %swap3A_105] {strides = array<i32>} : memref<128x128xf32, #tpu.memory_space<vmem>>, vector<1x16xf32>,
        %swap3A_107 = vector.shape_cast %swap3A_106 : vector<1x16xf32> to vector<16xf32>
        %swap3A_108 = vector.shape_cast %add3A_103 : vector<16xf32> to vector<1x16xf32>
        tpu.vector_store %arg13[%swap3A_104, %swap3A_105], %swap3A_108 {strides = array<i32>} : memref<128x128xf32, #tpu.memory_space<vmem>>, vector<1x16xf32>,
        %get3A_109 = arith.index_cast %scan3A_82 : i32 to index
        %get3A_110 = arith.constant 32 : index
        %get3A_111 = tpu.vector_load %arg9[%get3A_109, %get3A_110] {strides = array<i32>} : memref<128x128xf32, #tpu.memory_space<vmem>>, vector<1x16xf32>,
        %get3A_112 = vector.shape_cast %get3A_111 : vector<1x16xf32> to vector<16xf32>
        %get3A_113 = arith.index_cast %scan3A_82 : i32 to index
        %get3A_114 = arith.constant 32 : index
        %get3A_115 = tpu.vector_load %arg11[%get3A_113, %get3A_114] {strides = array<i32>} : memref<128x128xf32, #tpu.memory_space<vmem>>, vector<1x16xf32>,
        %get3A_116 = vector.shape_cast %get3A_115 : vector<1x16xf32> to vector<16xf32>
        %add3A_117 = arith.addf %get3A_112, %get3A_116 : vector<16xf32>
        %swap3A_118 = arith.index_cast %scan3A_82 : i32 to index
        %swap3A_119 = arith.constant 32 : index
        %swap3A_120 = tpu.vector_load %arg13[%swap3A_118, %swap3A_119] {strides = array<i32>} : memref<128x128xf32, #tpu.memory_space<vmem>>, vector<1x16xf32>,
        %swap3A_121 = vector.shape_cast %swap3A_120 : vector<1x16xf32> to vector<16xf32>
        %swap3A_122 = vector.shape_cast %add3A_117 : vector<16xf32> to vector<1x16xf32>
        tpu.vector_store %arg13[%swap3A_118, %swap3A_119], %swap3A_122 {strides = array<i32>} : memref<128x128xf32, #tpu.memory_space<vmem>>, vector<1x16xf32>,
        %get3A_123 = arith.index_cast %scan3A_82 : i32 to index
        %get3A_124 = arith.constant 48 : index
        %get3A_125 = tpu.vector_load %arg9[%get3A_123, %get3A_124] {strides = array<i32>} : memref<128x128xf32, #tpu.memory_space<vmem>>, vector<1x16xf32>,
        %get3A_126 = vector.shape_cast %get3A_125 : vector<1x16xf32> to vector<16xf32>
        %get3A_127 = arith.index_cast %scan3A_82 : i32 to index
        %get3A_128 = arith.constant 48 : index
        %get3A_129 = tpu.vector_load %arg11[%get3A_127, %get3A_128] {strides = array<i32>} : memref<128x128xf32, #tpu.memory_space<vmem>>, vector<1x16xf32>,
        %get3A_130 = vector.shape_cast %get3A_129 : vector<1x16xf32> to vector<16xf32>
        %add3A_131 = arith.addf %get3A_126, %get3A_130 : vector<16xf32>
        %swap3A_132 = arith.index_cast %scan3A_82 : i32 to index
        %swap3A_133 = arith.constant 48 : index
        %swap3A_134 = tpu.vector_load %arg13[%swap3A_132, %swap3A_133] {strides = array<i32>} : memref<128x128xf32, #tpu.memory_space<vmem>>, vector<1x16xf32>,
        %swap3A_135 = vector.shape_cast %swap3A_134 : vector<1x16xf32> to vector<16xf32>
        %swap3A_136 = vector.shape_cast %add3A_131 : vector<16xf32> to vector<1x16xf32>
        tpu.vector_store %arg13[%swap3A_132, %swap3A_133], %swap3A_136 {strides = array<i32>} : memref<128x128xf32, #tpu.memory_space<vmem>>, vector<1x16xf32>,
        %get3A_137 = arith.index_cast %scan3A_82 : i32 to index
        %get3A_138 = arith.constant 64 : index
        %get3A_139 = tpu.vector_load %arg9[%get3A_137, %get3A_138] {strides = array<i32>} : memref<128x128xf32, #tpu.memory_space<vmem>>, vector<1x16xf32>,
        %get3A_140 = vector.shape_cast %get3A_139 : vector<1x16xf32> to vector<16xf32>
        %get3A_141 = arith.index_cast %scan3A_82 : i32 to index
        %get3A_142 = arith.constant 64 : index
        %get3A_143 = tpu.vector_load %arg11[%get3A_141, %get3A_142] {strides = array<i32>} : memref<128x128xf32, #tpu.memory_space<vmem>>, vector<1x16xf32>,
        %get3A_144 = vector.shape_cast %get3A_143 : vector<1x16xf32> to vector<16xf32>
        %add3A_145 = arith.addf %get3A_140, %get3A_144 : vector<16xf32>
        %swap3A_146 = arith.index_cast %scan3A_82 : i32 to index
        %swap3A_147 = arith.constant 64 : index
        %swap3A_148 = tpu.vector_load %arg13[%swap3A_146, %swap3A_147] {strides = array<i32>} : memref<128x128xf32, #tpu.memory_space<vmem>>, vector<1x16xf32>,
        %swap3A_149 = vector.shape_cast %swap3A_148 : vector<1x16xf32> to vector<16xf32>
        %swap3A_150 = vector.shape_cast %add3A_145 : vector<16xf32> to vector<1x16xf32>
        tpu.vector_store %arg13[%swap3A_146, %swap3A_147], %swap3A_150 {strides = array<i32>} : memref<128x128xf32, #tpu.memory_space<vmem>>, vector<1x16xf32>,
        %get3A_151 = arith.index_cast %scan3A_82 : i32 to index
        %get3A_152 = arith.constant 80 : index
        %get3A_153 = tpu.vector_load %arg9[%get3A_151, %get3A_152] {strides = array<i32>} : memref<128x128xf32, #tpu.memory_space<vmem>>, vector<1x16xf32>,
        %get3A_154 = vector.shape_cast %get3A_153 : vector<1x16xf32> to vector<16xf32>
        %get3A_155 = arith.index_cast %scan3A_82 : i32 to index
        %get3A_156 = arith.constant 80 : index
        %get3A_157 = tpu.vector_load %arg11[%get3A_155, %get3A_156] {strides = array<i32>} : memref<128x128xf32, #tpu.memory_space<vmem>>, vector<1x16xf32>,
        %get3A_158 = vector.shape_cast %get3A_157 : vector<1x16xf32> to vector<16xf32>
        %add3A_159 = arith.addf %get3A_154, %get3A_158 : vector<16xf32>
        %swap3A_160 = arith.index_cast %scan3A_82 : i32 to index
        %swap3A_161 = arith.constant 80 : index
        %swap3A_162 = tpu.vector_load %arg13[%swap3A_160, %swap3A_161] {strides = array<i32>} : memref<128x128xf32, #tpu.memory_space<vmem>>, vector<1x16xf32>,
        %swap3A_163 = vector.shape_cast %swap3A_162 : vector<1x16xf32> to vector<16xf32>
        %swap3A_164 = vector.shape_cast %add3A_159 : vector<16xf32> to vector<1x16xf32>
        tpu.vector_store %arg13[%swap3A_160, %swap3A_161], %swap3A_164 {strides = array<i32>} : memref<128x128xf32, #tpu.memory_space<vmem>>, vector<1x16xf32>,
        %get3A_165 = arith.index_cast %scan3A_82 : i32 to index
        %get3A_166 = arith.constant 96 : index
        %get3A_167 = tpu.vector_load %arg9[%get3A_165, %get3A_166] {strides = array<i32>} : memref<128x128xf32, #tpu.memory_space<vmem>>, vector<1x16xf32>,
        %get3A_168 = vector.shape_cast %get3A_167 : vector<1x16xf32> to vector<16xf32>
        %get3A_169 = arith.index_cast %scan3A_82 : i32 to index
        %get3A_170 = arith.constant 96 : index
        %get3A_171 = tpu.vector_load %arg11[%get3A_169, %get3A_170] {strides = array<i32>} : memref<128x128xf32, #tpu.memory_space<vmem>>, vector<1x16xf32>,
        %get3A_172 = vector.shape_cast %get3A_171 : vector<1x16xf32> to vector<16xf32>
        %add3A_173 = arith.addf %get3A_168, %get3A_172 : vector<16xf32>
        %swap3A_174 = arith.index_cast %scan3A_82 : i32 to index
        %swap3A_175 = arith.constant 96 : index
        %swap3A_176 = tpu.vector_load %arg13[%swap3A_174, %swap3A_175] {strides = array<i32>} : memref<128x128xf32, #tpu.memory_space<vmem>>, vector<1x16xf32>,
        %swap3A_177 = vector.shape_cast %swap3A_176 : vector<1x16xf32> to vector<16xf32>
        %swap3A_178 = vector.shape_cast %add3A_173 : vector<16xf32> to vector<1x16xf32>
        tpu.vector_store %arg13[%swap3A_174, %swap3A_175], %swap3A_178 {strides = array<i32>} : memref<128x128xf32, #tpu.memory_space<vmem>>, vector<1x16xf32>,
        %get3A_179 = arith.index_cast %scan3A_82 : i32 to index
        %get3A_180 = arith.constant 112 : index
        %get3A_181 = tpu.vector_load %arg9[%get3A_179, %get3A_180] {strides = array<i32>} : memref<128x128xf32, #tpu.memory_space<vmem>>, vector<1x16xf32>,
        %get3A_182 = vector.shape_cast %get3A_181 : vector<1x16xf32> to vector<16xf32>
        %get3A_183 = arith.index_cast %scan3A_82 : i32 to index
        %get3A_184 = arith.constant 112 : index
        %get3A_185 = tpu.vector_load %arg11[%get3A_183, %get3A_184] {strides = array<i32>} : memref<128x128xf32, #tpu.memory_space<vmem>>, vector<1x16xf32>,
        %get3A_186 = vector.shape_cast %get3A_185 : vector<1x16xf32> to vector<16xf32>
        %add3A_187 = arith.addf %get3A_182, %get3A_186 : vector<16xf32>
        %swap3A_188 = arith.index_cast %scan3A_82 : i32 to index
        %swap3A_189 = arith.constant 112 : index
        %swap3A_190 = tpu.vector_load %arg13[%swap3A_188, %swap3A_189] {strides = array<i32>} : memref<128x128xf32, #tpu.memory_space<vmem>>, vector<1x16xf32>,
        %swap3A_191 = vector.shape_cast %swap3A_190 : vector<1x16xf32> to vector<16xf32>
        %swap3A_192 = vector.shape_cast %add3A_187 : vector<16xf32> to vector<1x16xf32>
        tpu.vector_store %arg13[%swap3A_188, %swap3A_189], %swap3A_192 {strides = array<i32>} : memref<128x128xf32, #tpu.memory_space<vmem>>, vector<1x16xf32>,
      }
      %scan3A_77 = arith.constant 128 : i32
      %dma_start3A_78 = arith.constant 0 : i32
      %dma_start3A_79 = tpu.memref_slice %arg6[%mul3A_60, %dma_start3A_78] : memref<320000x128xf32, #tpu.memory_space<hbm>> -> memref<128x128xf32, #tpu.memory_space<hbm>>
      %dma_start3A_80 = arith.constant 0 : i32
      %dma_start3A_81 = tpu.memref_slice %arg6[%mul3A_60, %dma_start3A_80] : memref<320000x128xf32, #tpu.memory_space<hbm>> -> memref<128x128xf32, #tpu.memory_space<hbm>>
      tpu.enqueue_dma source(%arg13 : memref<128x128xf32, #tpu.memory_space<vmem>>) target(%dma_start3A_81 : memref<128x128xf32, #tpu.memory_space<hbm>>) target_semaphore(%arg17 : memref<!tpu.dma_semaphore, #tpu.memory_space<semaphore_mem>>)
    } else {
    }
    %gt3A_37 = arith.constant 2 : i32
    %gt3A_38 = arith.cmpi sgt, %add3A_4, %gt3A_37 : i32
    %convert_element_type3A_39 = arith.extui %gt3A_38 : i1 to i32
    %cond3A_40 = arith.constant 0 : i32
    %cond3A_41 = arith.cmpi ne, %convert_element_type3A_39, %cond3A_40 : i32
    scf.if %cond3A_41 {
      %dma_start3A_57 = arith.constant 256 : i32
      %dma_start3A_58 = tpu.memref_slice %arg7[%dma_start3A_57] : memref<10112xi32, #tpu.memory_space<vmem>> -> memref<128xi32, #tpu.memory_space<vmem>>
      %dma_start3A_59 = arith.constant 0 : i32
      %dma_start3A_60 = arith.constant 0 : i32
      %dma_start3A_61 = tpu.memref_slice %arg2[%dma_start3A_59, %dma_start3A_60] : memref<10000x128xf32, #tpu.memory_space<hbm>> -> memref<10000x128xf32, #tpu.memory_space<hbm>>
      tpu.enqueue_indirect_dma source(%dma_start3A_61 : memref<10000x128xf32, #tpu.memory_space<hbm>>) target(%arg9 : memref<128x128xf32, #tpu.memory_space<vmem>>) offsets(%dma_start3A_58 : memref<128xi32, #tpu.memory_space<vmem>>) semaphore(%arg15 : memref<!tpu.dma_semaphore, #tpu.memory_space<semaphore_mem>>)
      %dma_start3A_62 = arith.constant 256 : i32
      %dma_start3A_63 = tpu.memref_slice %arg8[%dma_start3A_62] : memref<10112xi32, #tpu.memory_space<vmem>> -> memref<128xi32, #tpu.memory_space<vmem>>
      %dma_start3A_64 = arith.constant 0 : i32
      %dma_start3A_65 = arith.constant 0 : i32
      %dma_start3A_66 = tpu.memref_slice %arg3[%dma_start3A_64, %dma_start3A_65] : memref<10000x128xf32, #tpu.memory_space<hbm>> -> memref<10000x128xf32, #tpu.memory_space<hbm>>
      tpu.enqueue_indirect_dma source(%dma_start3A_66 : memref<10000x128xf32, #tpu.memory_space<hbm>>) target(%arg11 : memref<128x128xf32, #tpu.memory_space<vmem>>) offsets(%dma_start3A_63 : memref<128xi32, #tpu.memory_space<vmem>>) semaphore(%arg15 : memref<!tpu.dma_semaphore, #tpu.memory_space<semaphore_mem>>)
    } else {
    }
    %gt3A_42 = arith.constant 1 : i32
    %gt3A_43 = arith.cmpi sgt, %add3A_4, %gt3A_42 : i32
    %convert_element_type3A_44 = arith.extui %gt3A_43 : i1 to i32
    %cond3A_45 = arith.constant 0 : i32
    %cond3A_46 = arith.cmpi ne, %convert_element_type3A_44, %cond3A_45 : i32
    scf.if %cond3A_46 {
      %add3A_57 = arith.constant 1 : i32
      %add3A_58 = arith.addi %add3A_8, %add3A_57 : i32
      %mul3A_59 = arith.constant 128 : i32
      %mul3A_60 = arith.muli %add3A_58, %mul3A_59 : i32
      %dma_wait3A = arith.constant 0 : i32
      %dma_wait3A_61 = arith.constant 0 : i32
      %dma_wait3A_62 = tpu.memref_slice %arg2[%dma_wait3A, %dma_wait3A_61] : memref<10000x128xf32, #tpu.memory_space<hbm>> -> memref<128x128xf32, #tpu.memory_space<hbm>>
      %dma_wait3A_63 = arith.constant 0 : i32
      %dma_wait3A_64 = arith.constant 0 : i32
      %dma_wait3A_65 = tpu.memref_slice %arg2[%dma_wait3A_63, %dma_wait3A_64] : memref<10000x128xf32, #tpu.memory_space<hbm>> -> memref<128x128xf32, #tpu.memory_space<hbm>>
      tpu.wait_dma2 semaphore(%arg16 : memref<!tpu.dma_semaphore, #tpu.memory_space<semaphore_mem>>) src(%dma_wait3A_65 : memref<128x128xf32, #tpu.memory_space<hbm>>) dst(%arg10 : memref<128x128xf32, #tpu.memory_space<vmem>>)
      %dma_wait3A_66 = arith.constant 0 : i32
      %dma_wait3A_67 = arith.constant 0 : i32
      %dma_wait3A_68 = tpu.memref_slice %arg3[%dma_wait3A_66, %dma_wait3A_67] : memref<10000x128xf32, #tpu.memory_space<hbm>> -> memref<128x128xf32, #tpu.memory_space<hbm>>
      %dma_wait3A_69 = arith.constant 0 : i32
      %dma_wait3A_70 = arith.constant 0 : i32
      %dma_wait3A_71 = tpu.memref_slice %arg3[%dma_wait3A_69, %dma_wait3A_70] : memref<10000x128xf32, #tpu.memory_space<hbm>> -> memref<128x128xf32, #tpu.memory_space<hbm>>
      tpu.wait_dma2 semaphore(%arg16 : memref<!tpu.dma_semaphore, #tpu.memory_space<semaphore_mem>>) src(%dma_wait3A_71 : memref<128x128xf32, #tpu.memory_space<hbm>>) dst(%arg12 : memref<128x128xf32, #tpu.memory_space<vmem>>)
      %scan3A_72 = arith.constant 0 : i32
      %scan3A_73 = arith.constant 0 : i32
      %scan3A_74 = arith.constant 128 : i32
      %scan3A_75 = arith.addi %scan3A_73, %scan3A_74 : i32
      %scan3A_76 = arith.constant 1 : i32
      scf.for %scan3A_82 = %scan3A_73 to %scan3A_75 step %scan3A_76  : i32 {
        %get3A = arith.index_cast %scan3A_82 : i32 to index
        %get3A_83 = arith.constant 0 : index
        %get3A_84 = tpu.vector_load %arg10[%get3A, %get3A_83] {strides = array<i32>} : memref<128x128xf32, #tpu.memory_space<vmem>>, vector<1x16xf32>,
        %get3A_85 = vector.shape_cast %get3A_84 : vector<1x16xf32> to vector<16xf32>
        %get3A_86 = arith.index_cast %scan3A_82 : i32 to index
        %get3A_87 = arith.constant 0 : index
        %get3A_88 = tpu.vector_load %arg12[%get3A_86, %get3A_87] {strides = array<i32>} : memref<128x128xf32, #tpu.memory_space<vmem>>, vector<1x16xf32>,
        %get3A_89 = vector.shape_cast %get3A_88 : vector<1x16xf32> to vector<16xf32>
        %add3A_90 = arith.addf %get3A_85, %get3A_89 : vector<16xf32>
        %swap3A = arith.index_cast %scan3A_82 : i32 to index
        %swap3A_91 = arith.constant 0 : index
        %swap3A_92 = tpu.vector_load %arg14[%swap3A, %swap3A_91] {strides = array<i32>} : memref<128x128xf32, #tpu.memory_space<vmem>>, vector<1x16xf32>,
        %swap3A_93 = vector.shape_cast %swap3A_92 : vector<1x16xf32> to vector<16xf32>
        %swap3A_94 = vector.shape_cast %add3A_90 : vector<16xf32> to vector<1x16xf32>
        tpu.vector_store %arg14[%swap3A, %swap3A_91], %swap3A_94 {strides = array<i32>} : memref<128x128xf32, #tpu.memory_space<vmem>>, vector<1x16xf32>,
        %get3A_95 = arith.index_cast %scan3A_82 : i32 to index
        %get3A_96 = arith.constant 16 : index
        %get3A_97 = tpu.vector_load %arg10[%get3A_95, %get3A_96] {strides = array<i32>} : memref<128x128xf32, #tpu.memory_space<vmem>>, vector<1x16xf32>,
        %get3A_98 = vector.shape_cast %get3A_97 : vector<1x16xf32> to vector<16xf32>
        %get3A_99 = arith.index_cast %scan3A_82 : i32 to index
        %get3A_100 = arith.constant 16 : index
        %get3A_101 = tpu.vector_load %arg12[%get3A_99, %get3A_100] {strides = array<i32>} : memref<128x128xf32, #tpu.memory_space<vmem>>, vector<1x16xf32>,
        %get3A_102 = vector.shape_cast %get3A_101 : vector<1x16xf32> to vector<16xf32>
        %add3A_103 = arith.addf %get3A_98, %get3A_102 : vector<16xf32>
        %swap3A_104 = arith.index_cast %scan3A_82 : i32 to index
        %swap3A_105 = arith.constant 16 : index
        %swap3A_106 = tpu.vector_load %arg14[%swap3A_104, %swap3A_105] {strides = array<i32>} : memref<128x128xf32, #tpu.memory_space<vmem>>, vector<1x16xf32>,
        %swap3A_107 = vector.shape_cast %swap3A_106 : vector<1x16xf32> to vector<16xf32>
        %swap3A_108 = vector.shape_cast %add3A_103 : vector<16xf32> to vector<1x16xf32>
        tpu.vector_store %arg14[%swap3A_104, %swap3A_105], %swap3A_108 {strides = array<i32>} : memref<128x128xf32, #tpu.memory_space<vmem>>, vector<1x16xf32>,
        %get3A_109 = arith.index_cast %scan3A_82 : i32 to index
        %get3A_110 = arith.constant 32 : index
        %get3A_111 = tpu.vector_load %arg10[%get3A_109, %get3A_110] {strides = array<i32>} : memref<128x128xf32, #tpu.memory_space<vmem>>, vector<1x16xf32>,
        %get3A_112 = vector.shape_cast %get3A_111 : vector<1x16xf32> to vector<16xf32>
        %get3A_113 = arith.index_cast %scan3A_82 : i32 to index
        %get3A_114 = arith.constant 32 : index
        %get3A_115 = tpu.vector_load %arg12[%get3A_113, %get3A_114] {strides = array<i32>} : memref<128x128xf32, #tpu.memory_space<vmem>>, vector<1x16xf32>,
        %get3A_116 = vector.shape_cast %get3A_115 : vector<1x16xf32> to vector<16xf32>
        %add3A_117 = arith.addf %get3A_112, %get3A_116 : vector<16xf32>
        %swap3A_118 = arith.index_cast %scan3A_82 : i32 to index
        %swap3A_119 = arith.constant 32 : index
        %swap3A_120 = tpu.vector_load %arg14[%swap3A_118, %swap3A_119] {strides = array<i32>} : memref<128x128xf32, #tpu.memory_space<vmem>>, vector<1x16xf32>,
        %swap3A_121 = vector.shape_cast %swap3A_120 : vector<1x16xf32> to vector<16xf32>
        %swap3A_122 = vector.shape_cast %add3A_117 : vector<16xf32> to vector<1x16xf32>
        tpu.vector_store %arg14[%swap3A_118, %swap3A_119], %swap3A_122 {strides = array<i32>} : memref<128x128xf32, #tpu.memory_space<vmem>>, vector<1x16xf32>,
        %get3A_123 = arith.index_cast %scan3A_82 : i32 to index
        %get3A_124 = arith.constant 48 : index
        %get3A_125 = tpu.vector_load %arg10[%get3A_123, %get3A_124] {strides = array<i32>} : memref<128x128xf32, #tpu.memory_space<vmem>>, vector<1x16xf32>,
        %get3A_126 = vector.shape_cast %get3A_125 : vector<1x16xf32> to vector<16xf32>
        %get3A_127 = arith.index_cast %scan3A_82 : i32 to index
        %get3A_128 = arith.constant 48 : index
        %get3A_129 = tpu.vector_load %arg12[%get3A_127, %get3A_128] {strides = array<i32>} : memref<128x128xf32, #tpu.memory_space<vmem>>, vector<1x16xf32>,
        %get3A_130 = vector.shape_cast %get3A_129 : vector<1x16xf32> to vector<16xf32>
        %add3A_131 = arith.addf %get3A_126, %get3A_130 : vector<16xf32>
        %swap3A_132 = arith.index_cast %scan3A_82 : i32 to index
        %swap3A_133 = arith.constant 48 : index
        %swap3A_134 = tpu.vector_load %arg14[%swap3A_132, %swap3A_133] {strides = array<i32>} : memref<128x128xf32, #tpu.memory_space<vmem>>, vector<1x16xf32>,
        %swap3A_135 = vector.shape_cast %swap3A_134 : vector<1x16xf32> to vector<16xf32>
        %swap3A_136 = vector.shape_cast %add3A_131 : vector<16xf32> to vector<1x16xf32>
        tpu.vector_store %arg14[%swap3A_132, %swap3A_133], %swap3A_136 {strides = array<i32>} : memref<128x128xf32, #tpu.memory_space<vmem>>, vector<1x16xf32>,
        %get3A_137 = arith.index_cast %scan3A_82 : i32 to index
        %get3A_138 = arith.constant 64 : index
        %get3A_139 = tpu.vector_load %arg10[%get3A_137, %get3A_138] {strides = array<i32>} : memref<128x128xf32, #tpu.memory_space<vmem>>, vector<1x16xf32>,
        %get3A_140 = vector.shape_cast %get3A_139 : vector<1x16xf32> to vector<16xf32>
        %get3A_141 = arith.index_cast %scan3A_82 : i32 to index
        %get3A_142 = arith.constant 64 : index
        %get3A_143 = tpu.vector_load %arg12[%get3A_141, %get3A_142] {strides = array<i32>} : memref<128x128xf32, #tpu.memory_space<vmem>>, vector<1x16xf32>,
        %get3A_144 = vector.shape_cast %get3A_143 : vector<1x16xf32> to vector<16xf32>
        %add3A_145 = arith.addf %get3A_140, %get3A_144 : vector<16xf32>
        %swap3A_146 = arith.index_cast %scan3A_82 : i32 to index
        %swap3A_147 = arith.constant 64 : index
        %swap3A_148 = tpu.vector_load %arg14[%swap3A_146, %swap3A_147] {strides = array<i32>} : memref<128x128xf32, #tpu.memory_space<vmem>>, vector<1x16xf32>,
        %swap3A_149 = vector.shape_cast %swap3A_148 : vector<1x16xf32> to vector<16xf32>
        %swap3A_150 = vector.shape_cast %add3A_145 : vector<16xf32> to vector<1x16xf32>
        tpu.vector_store %arg14[%swap3A_146, %swap3A_147], %swap3A_150 {strides = array<i32>} : memref<128x128xf32, #tpu.memory_space<vmem>>, vector<1x16xf32>,
        %get3A_151 = arith.index_cast %scan3A_82 : i32 to index
        %get3A_152 = arith.constant 80 : index
        %get3A_153 = tpu.vector_load %arg10[%get3A_151, %get3A_152] {strides = array<i32>} : memref<128x128xf32, #tpu.memory_space<vmem>>, vector<1x16xf32>,
        %get3A_154 = vector.shape_cast %get3A_153 : vector<1x16xf32> to vector<16xf32>
        %get3A_155 = arith.index_cast %scan3A_82 : i32 to index
        %get3A_156 = arith.constant 80 : index
        %get3A_157 = tpu.vector_load %arg12[%get3A_155, %get3A_156] {strides = array<i32>} : memref<128x128xf32, #tpu.memory_space<vmem>>, vector<1x16xf32>,
        %get3A_158 = vector.shape_cast %get3A_157 : vector<1x16xf32> to vector<16xf32>
        %add3A_159 = arith.addf %get3A_154, %get3A_158 : vector<16xf32>
        %swap3A_160 = arith.index_cast %scan3A_82 : i32 to index
        %swap3A_161 = arith.constant 80 : index
        %swap3A_162 = tpu.vector_load %arg14[%swap3A_160, %swap3A_161] {strides = array<i32>} : memref<128x128xf32, #tpu.memory_space<vmem>>, vector<1x16xf32>,
        %swap3A_163 = vector.shape_cast %swap3A_162 : vector<1x16xf32> to vector<16xf32>
        %swap3A_164 = vector.shape_cast %add3A_159 : vector<16xf32> to vector<1x16xf32>
        tpu.vector_store %arg14[%swap3A_160, %swap3A_161], %swap3A_164 {strides = array<i32>} : memref<128x128xf32, #tpu.memory_space<vmem>>, vector<1x16xf32>,
        %get3A_165 = arith.index_cast %scan3A_82 : i32 to index
        %get3A_166 = arith.constant 96 : index
        %get3A_167 = tpu.vector_load %arg10[%get3A_165, %get3A_166] {strides = array<i32>} : memref<128x128xf32, #tpu.memory_space<vmem>>, vector<1x16xf32>,
        %get3A_168 = vector.shape_cast %get3A_167 : vector<1x16xf32> to vector<16xf32>
        %get3A_169 = arith.index_cast %scan3A_82 : i32 to index
        %get3A_170 = arith.constant 96 : index
        %get3A_171 = tpu.vector_load %arg12[%get3A_169, %get3A_170] {strides = array<i32>} : memref<128x128xf32, #tpu.memory_space<vmem>>, vector<1x16xf32>,
        %get3A_172 = vector.shape_cast %get3A_171 : vector<1x16xf32> to vector<16xf32>
        %add3A_173 = arith.addf %get3A_168, %get3A_172 : vector<16xf32>
        %swap3A_174 = arith.index_cast %scan3A_82 : i32 to index
        %swap3A_175 = arith.constant 96 : index
        %swap3A_176 = tpu.vector_load %arg14[%swap3A_174, %swap3A_175] {strides = array<i32>} : memref<128x128xf32, #tpu.memory_space<vmem>>, vector<1x16xf32>,
        %swap3A_177 = vector.shape_cast %swap3A_176 : vector<1x16xf32> to vector<16xf32>
        %swap3A_178 = vector.shape_cast %add3A_173 : vector<16xf32> to vector<1x16xf32>
        tpu.vector_store %arg14[%swap3A_174, %swap3A_175], %swap3A_178 {strides = array<i32>} : memref<128x128xf32, #tpu.memory_space<vmem>>, vector<1x16xf32>,
        %get3A_179 = arith.index_cast %scan3A_82 : i32 to index
        %get3A_180 = arith.constant 112 : index
        %get3A_181 = tpu.vector_load %arg10[%get3A_179, %get3A_180] {strides = array<i32>} : memref<128x128xf32, #tpu.memory_space<vmem>>, vector<1x16xf32>,
        %get3A_182 = vector.shape_cast %get3A_181 : vector<1x16xf32> to vector<16xf32>
        %get3A_183 = arith.index_cast %scan3A_82 : i32 to index
        %get3A_184 = arith.constant 112 : index
        %get3A_185 = tpu.vector_load %arg12[%get3A_183, %get3A_184] {strides = array<i32>} : memref<128x128xf32, #tpu.memory_space<vmem>>, vector<1x16xf32>,
        %get3A_186 = vector.shape_cast %get3A_185 : vector<1x16xf32> to vector<16xf32>
        %add3A_187 = arith.addf %get3A_182, %get3A_186 : vector<16xf32>
        %swap3A_188 = arith.index_cast %scan3A_82 : i32 to index
        %swap3A_189 = arith.constant 112 : index
        %swap3A_190 = tpu.vector_load %arg14[%swap3A_188, %swap3A_189] {strides = array<i32>} : memref<128x128xf32, #tpu.memory_space<vmem>>, vector<1x16xf32>,
        %swap3A_191 = vector.shape_cast %swap3A_190 : vector<1x16xf32> to vector<16xf32>
        %swap3A_192 = vector.shape_cast %add3A_187 : vector<16xf32> to vector<1x16xf32>
        tpu.vector_store %arg14[%swap3A_188, %swap3A_189], %swap3A_192 {strides = array<i32>} : memref<128x128xf32, #tpu.memory_space<vmem>>, vector<1x16xf32>,
      }
      %scan3A_77 = arith.constant 128 : i32
      %dma_start3A_78 = arith.constant 0 : i32
      %dma_start3A_79 = tpu.memref_slice %arg6[%mul3A_60, %dma_start3A_78] : memref<320000x128xf32, #tpu.memory_space<hbm>> -> memref<128x128xf32, #tpu.memory_space<hbm>>
      %dma_start3A_80 = arith.constant 0 : i32
      %dma_start3A_81 = tpu.memref_slice %arg6[%mul3A_60, %dma_start3A_80] : memref<320000x128xf32, #tpu.memory_space<hbm>> -> memref<128x128xf32, #tpu.memory_space<hbm>>
      tpu.enqueue_dma source(%arg14 : memref<128x128xf32, #tpu.memory_space<vmem>>) target(%dma_start3A_81 : memref<128x128xf32, #tpu.memory_space<hbm>>) target_semaphore(%arg18 : memref<!tpu.dma_semaphore, #tpu.memory_space<semaphore_mem>>)
    } else {
    }
    %gt3A_47 = arith.constant 3 : i32
    %gt3A_48 = arith.cmpi sgt, %add3A_4, %gt3A_47 : i32
    %convert_element_type3A_49 = arith.extui %gt3A_48 : i1 to i32
    %cond3A_50 = arith.constant 0 : i32
    %cond3A_51 = arith.cmpi ne, %convert_element_type3A_49, %cond3A_50 : i32
    scf.if %cond3A_51 {
      %dma_start3A_57 = arith.constant 384 : i32
      %dma_start3A_58 = tpu.memref_slice %arg7[%dma_start3A_57] : memref<10112xi32, #tpu.memory_space<vmem>> -> memref<128xi32, #tpu.memory_space<vmem>>
      %dma_start3A_59 = arith.constant 0 : i32
      %dma_start3A_60 = arith.constant 0 : i32
      %dma_start3A_61 = tpu.memref_slice %arg2[%dma_start3A_59, %dma_start3A_60] : memref<10000x128xf32, #tpu.memory_space<hbm>> -> memref<10000x128xf32, #tpu.memory_space<hbm>>
      tpu.enqueue_indirect_dma source(%dma_start3A_61 : memref<10000x128xf32, #tpu.memory_space<hbm>>) target(%arg10 : memref<128x128xf32, #tpu.memory_space<vmem>>) offsets(%dma_start3A_58 : memref<128xi32, #tpu.memory_space<vmem>>) semaphore(%arg16 : memref<!tpu.dma_semaphore, #tpu.memory_space<semaphore_mem>>)
      %dma_start3A_62 = arith.constant 384 : i32
      %dma_start3A_63 = tpu.memref_slice %arg8[%dma_start3A_62] : memref<10112xi32, #tpu.memory_space<vmem>> -> memref<128xi32, #tpu.memory_space<vmem>>
      %dma_start3A_64 = arith.constant 0 : i32
      %dma_start3A_65 = arith.constant 0 : i32
      %dma_start3A_66 = tpu.memref_slice %arg3[%dma_start3A_64, %dma_start3A_65] : memref<10000x128xf32, #tpu.memory_space<hbm>> -> memref<10000x128xf32, #tpu.memory_space<hbm>>
      tpu.enqueue_indirect_dma source(%dma_start3A_66 : memref<10000x128xf32, #tpu.memory_space<hbm>>) target(%arg12 : memref<128x128xf32, #tpu.memory_space<vmem>>) offsets(%dma_start3A_63 : memref<128xi32, #tpu.memory_space<vmem>>) semaphore(%arg16 : memref<!tpu.dma_semaphore, #tpu.memory_space<semaphore_mem>>)
    } else {
    }
    %scan3A = arith.constant 0 : i32
    %scan3A_52 = arith.constant 1 : i32
    %scan3A_53 = arith.constant 40 : i32
    %scan3A_54 = arith.addi %scan3A_52, %scan3A_53 : i32
    %scan3A_55 = arith.constant 1 : i32
    scf.for %scan3A_57 = %scan3A_52 to %scan3A_54 step %scan3A_55  : i32 {
      %mul3A_58 = arith.constant 2 : i32
      %mul3A_59 = arith.muli %scan3A_57, %mul3A_58 : i32
      %lt3A_60 = arith.cmpi slt, %mul3A_59, %add3A_4 : i32
      %convert_element_type3A_61 = arith.extui %lt3A_60 : i1 to i32
      %cond3A_62 = arith.constant 0 : i32
      %cond3A_63 = arith.cmpi ne, %convert_element_type3A_61, %cond3A_62 : i32
      scf.if %cond3A_63 {
        %add3A_82 = arith.addi %add3A_8, %mul3A_59 : i32
        %mul3A_83 = arith.constant 128 : i32
        %mul3A_84 = arith.muli %add3A_82, %mul3A_83 : i32
        %dma_wait3A = arith.constant 0 : i32
        %dma_wait3A_85 = arith.constant 0 : i32
        %dma_wait3A_86 = tpu.memref_slice %arg2[%dma_wait3A, %dma_wait3A_85] : memref<10000x128xf32, #tpu.memory_space<hbm>> -> memref<128x128xf32, #tpu.memory_space<hbm>>
        %dma_wait3A_87 = arith.constant 0 : i32
        %dma_wait3A_88 = arith.constant 0 : i32
        %dma_wait3A_89 = tpu.memref_slice %arg2[%dma_wait3A_87, %dma_wait3A_88] : memref<10000x128xf32, #tpu.memory_space<hbm>> -> memref<128x128xf32, #tpu.memory_space<hbm>>
        tpu.wait_dma2 semaphore(%arg15 : memref<!tpu.dma_semaphore, #tpu.memory_space<semaphore_mem>>) src(%dma_wait3A_89 : memref<128x128xf32, #tpu.memory_space<hbm>>) dst(%arg9 : memref<128x128xf32, #tpu.memory_space<vmem>>)
        %dma_wait3A_90 = arith.constant 0 : i32
        %dma_wait3A_91 = arith.constant 0 : i32
        %dma_wait3A_92 = tpu.memref_slice %arg3[%dma_wait3A_90, %dma_wait3A_91] : memref<10000x128xf32, #tpu.memory_space<hbm>> -> memref<128x128xf32, #tpu.memory_space<hbm>>
        %dma_wait3A_93 = arith.constant 0 : i32
        %dma_wait3A_94 = arith.constant 0 : i32
        %dma_wait3A_95 = tpu.memref_slice %arg3[%dma_wait3A_93, %dma_wait3A_94] : memref<10000x128xf32, #tpu.memory_space<hbm>> -> memref<128x128xf32, #tpu.memory_space<hbm>>
        tpu.wait_dma2 semaphore(%arg15 : memref<!tpu.dma_semaphore, #tpu.memory_space<semaphore_mem>>) src(%dma_wait3A_95 : memref<128x128xf32, #tpu.memory_space<hbm>>) dst(%arg11 : memref<128x128xf32, #tpu.memory_space<vmem>>)
        %dma_wait3A_96 = arith.constant 0 : i32
        %dma_wait3A_97 = arith.constant 0 : i32
        %dma_wait3A_98 = tpu.memref_slice %arg6[%dma_wait3A_96, %dma_wait3A_97] : memref<320000x128xf32, #tpu.memory_space<hbm>> -> memref<128x128xf32, #tpu.memory_space<hbm>>
        %dma_wait3A_99 = arith.constant 0 : i32
        %dma_wait3A_100 = arith.constant 0 : i32
        %dma_wait3A_101 = tpu.memref_slice %arg6[%dma_wait3A_99, %dma_wait3A_100] : memref<320000x128xf32, #tpu.memory_space<hbm>> -> memref<128x128xf32, #tpu.memory_space<hbm>>
        tpu.wait_dma2 semaphore(%arg17 : memref<!tpu.dma_semaphore, #tpu.memory_space<semaphore_mem>>) src(%arg13 : memref<128x128xf32, #tpu.memory_space<vmem>>) dst(%dma_wait3A_101 : memref<128x128xf32, #tpu.memory_space<hbm>>)
        %scan3A_102 = arith.constant 0 : i32
        %scan3A_103 = arith.constant 0 : i32
        %scan3A_104 = arith.constant 128 : i32
        %scan3A_105 = arith.addi %scan3A_103, %scan3A_104 : i32
        %scan3A_106 = arith.constant 1 : i32
        scf.for %scan3A_112 = %scan3A_103 to %scan3A_105 step %scan3A_106  : i32 {
          %get3A = arith.index_cast %scan3A_112 : i32 to index
          %get3A_113 = arith.constant 0 : index
          %get3A_114 = tpu.vector_load %arg9[%get3A, %get3A_113] {strides = array<i32>} : memref<128x128xf32, #tpu.memory_space<vmem>>, vector<1x16xf32>,
          %get3A_115 = vector.shape_cast %get3A_114 : vector<1x16xf32> to vector<16xf32>
          %get3A_116 = arith.index_cast %scan3A_112 : i32 to index
          %get3A_117 = arith.constant 0 : index
          %get3A_118 = tpu.vector_load %arg11[%get3A_116, %get3A_117] {strides = array<i32>} : memref<128x128xf32, #tpu.memory_space<vmem>>, vector<1x16xf32>,
          %get3A_119 = vector.shape_cast %get3A_118 : vector<1x16xf32> to vector<16xf32>
          %add3A_120 = arith.addf %get3A_115, %get3A_119 : vector<16xf32>
          %swap3A = arith.index_cast %scan3A_112 : i32 to index
          %swap3A_121 = arith.constant 0 : index
          %swap3A_122 = tpu.vector_load %arg13[%swap3A, %swap3A_121] {strides = array<i32>} : memref<128x128xf32, #tpu.memory_space<vmem>>, vector<1x16xf32>,
          %swap3A_123 = vector.shape_cast %swap3A_122 : vector<1x16xf32> to vector<16xf32>
          %swap3A_124 = vector.shape_cast %add3A_120 : vector<16xf32> to vector<1x16xf32>
          tpu.vector_store %arg13[%swap3A, %swap3A_121], %swap3A_124 {strides = array<i32>} : memref<128x128xf32, #tpu.memory_space<vmem>>, vector<1x16xf32>,
          %get3A_125 = arith.index_cast %scan3A_112 : i32 to index
          %get3A_126 = arith.constant 16 : index
          %get3A_127 = tpu.vector_load %arg9[%get3A_125, %get3A_126] {strides = array<i32>} : memref<128x128xf32, #tpu.memory_space<vmem>>, vector<1x16xf32>,
          %get3A_128 = vector.shape_cast %get3A_127 : vector<1x16xf32> to vector<16xf32>
          %get3A_129 = arith.index_cast %scan3A_112 : i32 to index
          %get3A_130 = arith.constant 16 : index
          %get3A_131 = tpu.vector_load %arg11[%get3A_129, %get3A_130] {strides = array<i32>} : memref<128x128xf32, #tpu.memory_space<vmem>>, vector<1x16xf32>,
          %get3A_132 = vector.shape_cast %get3A_131 : vector<1x16xf32> to vector<16xf32>
          %add3A_133 = arith.addf %get3A_128, %get3A_132 : vector<16xf32>
          %swap3A_134 = arith.index_cast %scan3A_112 : i32 to index
          %swap3A_135 = arith.constant 16 : index
          %swap3A_136 = tpu.vector_load %arg13[%swap3A_134, %swap3A_135] {strides = array<i32>} : memref<128x128xf32, #tpu.memory_space<vmem>>, vector<1x16xf32>,
          %swap3A_137 = vector.shape_cast %swap3A_136 : vector<1x16xf32> to vector<16xf32>
          %swap3A_138 = vector.shape_cast %add3A_133 : vector<16xf32> to vector<1x16xf32>
          tpu.vector_store %arg13[%swap3A_134, %swap3A_135], %swap3A_138 {strides = array<i32>} : memref<128x128xf32, #tpu.memory_space<vmem>>, vector<1x16xf32>,
          %get3A_139 = arith.index_cast %scan3A_112 : i32 to index
          %get3A_140 = arith.constant 32 : index
          %get3A_141 = tpu.vector_load %arg9[%get3A_139, %get3A_140] {strides = array<i32>} : memref<128x128xf32, #tpu.memory_space<vmem>>, vector<1x16xf32>,
          %get3A_142 = vector.shape_cast %get3A_141 : vector<1x16xf32> to vector<16xf32>
          %get3A_143 = arith.index_cast %scan3A_112 : i32 to index
          %get3A_144 = arith.constant 32 : index
          %get3A_145 = tpu.vector_load %arg11[%get3A_143, %get3A_144] {strides = array<i32>} : memref<128x128xf32, #tpu.memory_space<vmem>>, vector<1x16xf32>,
          %get3A_146 = vector.shape_cast %get3A_145 : vector<1x16xf32> to vector<16xf32>
          %add3A_147 = arith.addf %get3A_142, %get3A_146 : vector<16xf32>
          %swap3A_148 = arith.index_cast %scan3A_112 : i32 to index
          %swap3A_149 = arith.constant 32 : index
          %swap3A_150 = tpu.vector_load %arg13[%swap3A_148, %swap3A_149] {strides = array<i32>} : memref<128x128xf32, #tpu.memory_space<vmem>>, vector<1x16xf32>,
          %swap3A_151 = vector.shape_cast %swap3A_150 : vector<1x16xf32> to vector<16xf32>
          %swap3A_152 = vector.shape_cast %add3A_147 : vector<16xf32> to vector<1x16xf32>
          tpu.vector_store %arg13[%swap3A_148, %swap3A_149], %swap3A_152 {strides = array<i32>} : memref<128x128xf32, #tpu.memory_space<vmem>>, vector<1x16xf32>,
          %get3A_153 = arith.index_cast %scan3A_112 : i32 to index
          %get3A_154 = arith.constant 48 : index
          %get3A_155 = tpu.vector_load %arg9[%get3A_153, %get3A_154] {strides = array<i32>} : memref<128x128xf32, #tpu.memory_space<vmem>>, vector<1x16xf32>,
          %get3A_156 = vector.shape_cast %get3A_155 : vector<1x16xf32> to vector<16xf32>
          %get3A_157 = arith.index_cast %scan3A_112 : i32 to index
          %get3A_158 = arith.constant 48 : index
          %get3A_159 = tpu.vector_load %arg11[%get3A_157, %get3A_158] {strides = array<i32>} : memref<128x128xf32, #tpu.memory_space<vmem>>, vector<1x16xf32>,
          %get3A_160 = vector.shape_cast %get3A_159 : vector<1x16xf32> to vector<16xf32>
          %add3A_161 = arith.addf %get3A_156, %get3A_160 : vector<16xf32>
          %swap3A_162 = arith.index_cast %scan3A_112 : i32 to index
          %swap3A_163 = arith.constant 48 : index
          %swap3A_164 = tpu.vector_load %arg13[%swap3A_162, %swap3A_163] {strides = array<i32>} : memref<128x128xf32, #tpu.memory_space<vmem>>, vector<1x16xf32>,
          %swap3A_165 = vector.shape_cast %swap3A_164 : vector<1x16xf32> to vector<16xf32>
          %swap3A_166 = vector.shape_cast %add3A_161 : vector<16xf32> to vector<1x16xf32>
          tpu.vector_store %arg13[%swap3A_162, %swap3A_163], %swap3A_166 {strides = array<i32>} : memref<128x128xf32, #tpu.memory_space<vmem>>, vector<1x16xf32>,
          %get3A_167 = arith.index_cast %scan3A_112 : i32 to index
          %get3A_168 = arith.constant 64 : index
          %get3A_169 = tpu.vector_load %arg9[%get3A_167, %get3A_168] {strides = array<i32>} : memref<128x128xf32, #tpu.memory_space<vmem>>, vector<1x16xf32>,
          %get3A_170 = vector.shape_cast %get3A_169 : vector<1x16xf32> to vector<16xf32>
          %get3A_171 = arith.index_cast %scan3A_112 : i32 to index
          %get3A_172 = arith.constant 64 : index
          %get3A_173 = tpu.vector_load %arg11[%get3A_171, %get3A_172] {strides = array<i32>} : memref<128x128xf32, #tpu.memory_space<vmem>>, vector<1x16xf32>,
          %get3A_174 = vector.shape_cast %get3A_173 : vector<1x16xf32> to vector<16xf32>
          %add3A_175 = arith.addf %get3A_170, %get3A_174 : vector<16xf32>
          %swap3A_176 = arith.index_cast %scan3A_112 : i32 to index
          %swap3A_177 = arith.constant 64 : index
          %swap3A_178 = tpu.vector_load %arg13[%swap3A_176, %swap3A_177] {strides = array<i32>} : memref<128x128xf32, #tpu.memory_space<vmem>>, vector<1x16xf32>,
          %swap3A_179 = vector.shape_cast %swap3A_178 : vector<1x16xf32> to vector<16xf32>
          %swap3A_180 = vector.shape_cast %add3A_175 : vector<16xf32> to vector<1x16xf32>
          tpu.vector_store %arg13[%swap3A_176, %swap3A_177], %swap3A_180 {strides = array<i32>} : memref<128x128xf32, #tpu.memory_space<vmem>>, vector<1x16xf32>,
          %get3A_181 = arith.index_cast %scan3A_112 : i32 to index
          %get3A_182 = arith.constant 80 : index
          %get3A_183 = tpu.vector_load %arg9[%get3A_181, %get3A_182] {strides = array<i32>} : memref<128x128xf32, #tpu.memory_space<vmem>>, vector<1x16xf32>,
          %get3A_184 = vector.shape_cast %get3A_183 : vector<1x16xf32> to vector<16xf32>
          %get3A_185 = arith.index_cast %scan3A_112 : i32 to index
          %get3A_186 = arith.constant 80 : index
          %get3A_187 = tpu.vector_load %arg11[%get3A_185, %get3A_186] {strides = array<i32>} : memref<128x128xf32, #tpu.memory_space<vmem>>, vector<1x16xf32>,
          %get3A_188 = vector.shape_cast %get3A_187 : vector<1x16xf32> to vector<16xf32>
          %add3A_189 = arith.addf %get3A_184, %get3A_188 : vector<16xf32>
          %swap3A_190 = arith.index_cast %scan3A_112 : i32 to index
          %swap3A_191 = arith.constant 80 : index
          %swap3A_192 = tpu.vector_load %arg13[%swap3A_190, %swap3A_191] {strides = array<i32>} : memref<128x128xf32, #tpu.memory_space<vmem>>, vector<1x16xf32>,
          %swap3A_193 = vector.shape_cast %swap3A_192 : vector<1x16xf32> to vector<16xf32>
          %swap3A_194 = vector.shape_cast %add3A_189 : vector<16xf32> to vector<1x16xf32>
          tpu.vector_store %arg13[%swap3A_190, %swap3A_191], %swap3A_194 {strides = array<i32>} : memref<128x128xf32, #tpu.memory_space<vmem>>, vector<1x16xf32>,
          %get3A_195 = arith.index_cast %scan3A_112 : i32 to index
          %get3A_196 = arith.constant 96 : index
          %get3A_197 = tpu.vector_load %arg9[%get3A_195, %get3A_196] {strides = array<i32>} : memref<128x128xf32, #tpu.memory_space<vmem>>, vector<1x16xf32>,
          %get3A_198 = vector.shape_cast %get3A_197 : vector<1x16xf32> to vector<16xf32>
          %get3A_199 = arith.index_cast %scan3A_112 : i32 to index
          %get3A_200 = arith.constant 96 : index
          %get3A_201 = tpu.vector_load %arg11[%get3A_199, %get3A_200] {strides = array<i32>} : memref<128x128xf32, #tpu.memory_space<vmem>>, vector<1x16xf32>,
          %get3A_202 = vector.shape_cast %get3A_201 : vector<1x16xf32> to vector<16xf32>
          %add3A_203 = arith.addf %get3A_198, %get3A_202 : vector<16xf32>
          %swap3A_204 = arith.index_cast %scan3A_112 : i32 to index
          %swap3A_205 = arith.constant 96 : index
          %swap3A_206 = tpu.vector_load %arg13[%swap3A_204, %swap3A_205] {strides = array<i32>} : memref<128x128xf32, #tpu.memory_space<vmem>>, vector<1x16xf32>,
          %swap3A_207 = vector.shape_cast %swap3A_206 : vector<1x16xf32> to vector<16xf32>
          %swap3A_208 = vector.shape_cast %add3A_203 : vector<16xf32> to vector<1x16xf32>
          tpu.vector_store %arg13[%swap3A_204, %swap3A_205], %swap3A_208 {strides = array<i32>} : memref<128x128xf32, #tpu.memory_space<vmem>>, vector<1x16xf32>,
          %get3A_209 = arith.index_cast %scan3A_112 : i32 to index
          %get3A_210 = arith.constant 112 : index
          %get3A_211 = tpu.vector_load %arg9[%get3A_209, %get3A_210] {strides = array<i32>} : memref<128x128xf32, #tpu.memory_space<vmem>>, vector<1x16xf32>,
          %get3A_212 = vector.shape_cast %get3A_211 : vector<1x16xf32> to vector<16xf32>
          %get3A_213 = arith.index_cast %scan3A_112 : i32 to index
          %get3A_214 = arith.constant 112 : index
          %get3A_215 = tpu.vector_load %arg11[%get3A_213, %get3A_214] {strides = array<i32>} : memref<128x128xf32, #tpu.memory_space<vmem>>, vector<1x16xf32>,
          %get3A_216 = vector.shape_cast %get3A_215 : vector<1x16xf32> to vector<16xf32>
          %add3A_217 = arith.addf %get3A_212, %get3A_216 : vector<16xf32>
          %swap3A_218 = arith.index_cast %scan3A_112 : i32 to index
          %swap3A_219 = arith.constant 112 : index
          %swap3A_220 = tpu.vector_load %arg13[%swap3A_218, %swap3A_219] {strides = array<i32>} : memref<128x128xf32, #tpu.memory_space<vmem>>, vector<1x16xf32>,
          %swap3A_221 = vector.shape_cast %swap3A_220 : vector<1x16xf32> to vector<16xf32>
          %swap3A_222 = vector.shape_cast %add3A_217 : vector<16xf32> to vector<1x16xf32>
          tpu.vector_store %arg13[%swap3A_218, %swap3A_219], %swap3A_222 {strides = array<i32>} : memref<128x128xf32, #tpu.memory_space<vmem>>, vector<1x16xf32>,
        }
        %scan3A_107 = arith.constant 128 : i32
        %dma_start3A_108 = arith.constant 0 : i32
        %dma_start3A_109 = tpu.memref_slice %arg6[%mul3A_84, %dma_start3A_108] : memref<320000x128xf32, #tpu.memory_space<hbm>> -> memref<128x128xf32, #tpu.memory_space<hbm>>
        %dma_start3A_110 = arith.constant 0 : i32
        %dma_start3A_111 = tpu.memref_slice %arg6[%mul3A_84, %dma_start3A_110] : memref<320000x128xf32, #tpu.memory_space<hbm>> -> memref<128x128xf32, #tpu.memory_space<hbm>>
        tpu.enqueue_dma source(%arg13 : memref<128x128xf32, #tpu.memory_space<vmem>>) target(%dma_start3A_111 : memref<128x128xf32, #tpu.memory_space<hbm>>) target_semaphore(%arg17 : memref<!tpu.dma_semaphore, #tpu.memory_space<semaphore_mem>>)
      } else {
      }
      %add3A_64 = arith.constant 2 : i32
      %add3A_65 = arith.addi %mul3A_59, %add3A_64 : i32
      %lt3A_66 = arith.cmpi slt, %add3A_65, %add3A_4 : i32
      %convert_element_type3A_67 = arith.extui %lt3A_66 : i1 to i32
      %cond3A_68 = arith.constant 0 : i32
      %cond3A_69 = arith.cmpi ne, %convert_element_type3A_67, %cond3A_68 : i32
      scf.if %cond3A_69 {
        %mul3A_82 = arith.constant 128 : i32
        %mul3A_83 = arith.muli %add3A_65, %mul3A_82 : i32
        %dma_start3A_84 = tpu.memref_slice %arg7[%mul3A_83] : memref<10112xi32, #tpu.memory_space<vmem>> -> memref<128xi32, #tpu.memory_space<vmem>>
        %dma_start3A_85 = arith.constant 0 : i32
        %dma_start3A_86 = arith.constant 0 : i32
        %dma_start3A_87 = tpu.memref_slice %arg2[%dma_start3A_85, %dma_start3A_86] : memref<10000x128xf32, #tpu.memory_space<hbm>> -> memref<10000x128xf32, #tpu.memory_space<hbm>>
        tpu.enqueue_indirect_dma source(%dma_start3A_87 : memref<10000x128xf32, #tpu.memory_space<hbm>>) target(%arg9 : memref<128x128xf32, #tpu.memory_space<vmem>>) offsets(%dma_start3A_84 : memref<128xi32, #tpu.memory_space<vmem>>) semaphore(%arg15 : memref<!tpu.dma_semaphore, #tpu.memory_space<semaphore_mem>>)
        %mul3A_88 = arith.constant 128 : i32
        %mul3A_89 = arith.muli %add3A_65, %mul3A_88 : i32
        %dma_start3A_90 = tpu.memref_slice %arg8[%mul3A_89] : memref<10112xi32, #tpu.memory_space<vmem>> -> memref<128xi32, #tpu.memory_space<vmem>>
        %dma_start3A_91 = arith.constant 0 : i32
        %dma_start3A_92 = arith.constant 0 : i32
        %dma_start3A_93 = tpu.memref_slice %arg3[%dma_start3A_91, %dma_start3A_92] : memref<10000x128xf32, #tpu.memory_space<hbm>> -> memref<10000x128xf32, #tpu.memory_space<hbm>>
        tpu.enqueue_indirect_dma source(%dma_start3A_93 : memref<10000x128xf32, #tpu.memory_space<hbm>>) target(%arg11 : memref<128x128xf32, #tpu.memory_space<vmem>>) offsets(%dma_start3A_90 : memref<128xi32, #tpu.memory_space<vmem>>) semaphore(%arg15 : memref<!tpu.dma_semaphore, #tpu.memory_space<semaphore_mem>>)
      } else {
      }
      %add3A_70 = arith.constant 1 : i32
      %add3A_71 = arith.addi %mul3A_59, %add3A_70 : i32
      %lt3A_72 = arith.cmpi slt, %add3A_71, %add3A_4 : i32
      %convert_element_type3A_73 = arith.extui %lt3A_72 : i1 to i32
      %cond3A_74 = arith.constant 0 : i32
      %cond3A_75 = arith.cmpi ne, %convert_element_type3A_73, %cond3A_74 : i32
      scf.if %cond3A_75 {
        %add3A_82 = arith.addi %add3A_8, %add3A_71 : i32
        %mul3A_83 = arith.constant 128 : i32
        %mul3A_84 = arith.muli %add3A_82, %mul3A_83 : i32
        %dma_wait3A = arith.constant 0 : i32
        %dma_wait3A_85 = arith.constant 0 : i32
        %dma_wait3A_86 = tpu.memref_slice %arg2[%dma_wait3A, %dma_wait3A_85] : memref<10000x128xf32, #tpu.memory_space<hbm>> -> memref<128x128xf32, #tpu.memory_space<hbm>>
        %dma_wait3A_87 = arith.constant 0 : i32
        %dma_wait3A_88 = arith.constant 0 : i32
        %dma_wait3A_89 = tpu.memref_slice %arg2[%dma_wait3A_87, %dma_wait3A_88] : memref<10000x128xf32, #tpu.memory_space<hbm>> -> memref<128x128xf32, #tpu.memory_space<hbm>>
        tpu.wait_dma2 semaphore(%arg16 : memref<!tpu.dma_semaphore, #tpu.memory_space<semaphore_mem>>) src(%dma_wait3A_89 : memref<128x128xf32, #tpu.memory_space<hbm>>) dst(%arg10 : memref<128x128xf32, #tpu.memory_space<vmem>>)
        %dma_wait3A_90 = arith.constant 0 : i32
        %dma_wait3A_91 = arith.constant 0 : i32
        %dma_wait3A_92 = tpu.memref_slice %arg3[%dma_wait3A_90, %dma_wait3A_91] : memref<10000x128xf32, #tpu.memory_space<hbm>> -> memref<128x128xf32, #tpu.memory_space<hbm>>
        %dma_wait3A_93 = arith.constant 0 : i32
        %dma_wait3A_94 = arith.constant 0 : i32
        %dma_wait3A_95 = tpu.memref_slice %arg3[%dma_wait3A_93, %dma_wait3A_94] : memref<10000x128xf32, #tpu.memory_space<hbm>> -> memref<128x128xf32, #tpu.memory_space<hbm>>
        tpu.wait_dma2 semaphore(%arg16 : memref<!tpu.dma_semaphore, #tpu.memory_space<semaphore_mem>>) src(%dma_wait3A_95 : memref<128x128xf32, #tpu.memory_space<hbm>>) dst(%arg12 : memref<128x128xf32, #tpu.memory_space<vmem>>)
        %dma_wait3A_96 = arith.constant 0 : i32
        %dma_wait3A_97 = arith.constant 0 : i32
        %dma_wait3A_98 = tpu.memref_slice %arg6[%dma_wait3A_96, %dma_wait3A_97] : memref<320000x128xf32, #tpu.memory_space<hbm>> -> memref<128x128xf32, #tpu.memory_space<hbm>>
        %dma_wait3A_99 = arith.constant 0 : i32
        %dma_wait3A_100 = arith.constant 0 : i32
        %dma_wait3A_101 = tpu.memref_slice %arg6[%dma_wait3A_99, %dma_wait3A_100] : memref<320000x128xf32, #tpu.memory_space<hbm>> -> memref<128x128xf32, #tpu.memory_space<hbm>>
        tpu.wait_dma2 semaphore(%arg18 : memref<!tpu.dma_semaphore, #tpu.memory_space<semaphore_mem>>) src(%arg14 : memref<128x128xf32, #tpu.memory_space<vmem>>) dst(%dma_wait3A_101 : memref<128x128xf32, #tpu.memory_space<hbm>>)
        %scan3A_102 = arith.constant 0 : i32
        %scan3A_103 = arith.constant 0 : i32
        %scan3A_104 = arith.constant 128 : i32
        %scan3A_105 = arith.addi %scan3A_103, %scan3A_104 : i32
        %scan3A_106 = arith.constant 1 : i32
        scf.for %scan3A_112 = %scan3A_103 to %scan3A_105 step %scan3A_106  : i32 {
          %get3A = arith.index_cast %scan3A_112 : i32 to index
          %get3A_113 = arith.constant 0 : index
          %get3A_114 = tpu.vector_load %arg10[%get3A, %get3A_113] {strides = array<i32>} : memref<128x128xf32, #tpu.memory_space<vmem>>, vector<1x16xf32>,
          %get3A_115 = vector.shape_cast %get3A_114 : vector<1x16xf32> to vector<16xf32>
          %get3A_116 = arith.index_cast %scan3A_112 : i32 to index
          %get3A_117 = arith.constant 0 : index
          %get3A_118 = tpu.vector_load %arg12[%get3A_116, %get3A_117] {strides = array<i32>} : memref<128x128xf32, #tpu.memory_space<vmem>>, vector<1x16xf32>,
          %get3A_119 = vector.shape_cast %get3A_118 : vector<1x16xf32> to vector<16xf32>
          %add3A_120 = arith.addf %get3A_115, %get3A_119 : vector<16xf32>
          %swap3A = arith.index_cast %scan3A_112 : i32 to index
          %swap3A_121 = arith.constant 0 : index
          %swap3A_122 = tpu.vector_load %arg14[%swap3A, %swap3A_121] {strides = array<i32>} : memref<128x128xf32, #tpu.memory_space<vmem>>, vector<1x16xf32>,
          %swap3A_123 = vector.shape_cast %swap3A_122 : vector<1x16xf32> to vector<16xf32>
          %swap3A_124 = vector.shape_cast %add3A_120 : vector<16xf32> to vector<1x16xf32>
          tpu.vector_store %arg14[%swap3A, %swap3A_121], %swap3A_124 {strides = array<i32>} : memref<128x128xf32, #tpu.memory_space<vmem>>, vector<1x16xf32>,
          %get3A_125 = arith.index_cast %scan3A_112 : i32 to index
          %get3A_126 = arith.constant 16 : index
          %get3A_127 = tpu.vector_load %arg10[%get3A_125, %get3A_126] {strides = array<i32>} : memref<128x128xf32, #tpu.memory_space<vmem>>, vector<1x16xf32>,
          %get3A_128 = vector.shape_cast %get3A_127 : vector<1x16xf32> to vector<16xf32>
          %get3A_129 = arith.index_cast %scan3A_112 : i32 to index
          %get3A_130 = arith.constant 16 : index
          %get3A_131 = tpu.vector_load %arg12[%get3A_129, %get3A_130] {strides = array<i32>} : memref<128x128xf32, #tpu.memory_space<vmem>>, vector<1x16xf32>,
          %get3A_132 = vector.shape_cast %get3A_131 : vector<1x16xf32> to vector<16xf32>
          %add3A_133 = arith.addf %get3A_128, %get3A_132 : vector<16xf32>
          %swap3A_134 = arith.index_cast %scan3A_112 : i32 to index
          %swap3A_135 = arith.constant 16 : index
          %swap3A_136 = tpu.vector_load %arg14[%swap3A_134, %swap3A_135] {strides = array<i32>} : memref<128x128xf32, #tpu.memory_space<vmem>>, vector<1x16xf32>,
          %swap3A_137 = vector.shape_cast %swap3A_136 : vector<1x16xf32> to vector<16xf32>
          %swap3A_138 = vector.shape_cast %add3A_133 : vector<16xf32> to vector<1x16xf32>
          tpu.vector_store %arg14[%swap3A_134, %swap3A_135], %swap3A_138 {strides = array<i32>} : memref<128x128xf32, #tpu.memory_space<vmem>>, vector<1x16xf32>,
          %get3A_139 = arith.index_cast %scan3A_112 : i32 to index
          %get3A_140 = arith.constant 32 : index
          %get3A_141 = tpu.vector_load %arg10[%get3A_139, %get3A_140] {strides = array<i32>} : memref<128x128xf32, #tpu.memory_space<vmem>>, vector<1x16xf32>,
          %get3A_142 = vector.shape_cast %get3A_141 : vector<1x16xf32> to vector<16xf32>
          %get3A_143 = arith.index_cast %scan3A_112 : i32 to index
          %get3A_144 = arith.constant 32 : index
          %get3A_145 = tpu.vector_load %arg12[%get3A_143, %get3A_144] {strides = array<i32>} : memref<128x128xf32, #tpu.memory_space<vmem>>, vector<1x16xf32>,
          %get3A_146 = vector.shape_cast %get3A_145 : vector<1x16xf32> to vector<16xf32>
          %add3A_147 = arith.addf %get3A_142, %get3A_146 : vector<16xf32>
          %swap3A_148 = arith.index_cast %scan3A_112 : i32 to index
          %swap3A_149 = arith.constant 32 : index
          %swap3A_150 = tpu.vector_load %arg14[%swap3A_148, %swap3A_149] {strides = array<i32>} : memref<128x128xf32, #tpu.memory_space<vmem>>, vector<1x16xf32>,
          %swap3A_151 = vector.shape_cast %swap3A_150 : vector<1x16xf32> to vector<16xf32>
          %swap3A_152 = vector.shape_cast %add3A_147 : vector<16xf32> to vector<1x16xf32>
          tpu.vector_store %arg14[%swap3A_148, %swap3A_149], %swap3A_152 {strides = array<i32>} : memref<128x128xf32, #tpu.memory_space<vmem>>, vector<1x16xf32>,
          %get3A_153 = arith.index_cast %scan3A_112 : i32 to index
          %get3A_154 = arith.constant 48 : index
          %get3A_155 = tpu.vector_load %arg10[%get3A_153, %get3A_154] {strides = array<i32>} : memref<128x128xf32, #tpu.memory_space<vmem>>, vector<1x16xf32>,
          %get3A_156 = vector.shape_cast %get3A_155 : vector<1x16xf32> to vector<16xf32>
          %get3A_157 = arith.index_cast %scan3A_112 : i32 to index
          %get3A_158 = arith.constant 48 : index
          %get3A_159 = tpu.vector_load %arg12[%get3A_157, %get3A_158] {strides = array<i32>} : memref<128x128xf32, #tpu.memory_space<vmem>>, vector<1x16xf32>,
          %get3A_160 = vector.shape_cast %get3A_159 : vector<1x16xf32> to vector<16xf32>
          %add3A_161 = arith.addf %get3A_156, %get3A_160 : vector<16xf32>
          %swap3A_162 = arith.index_cast %scan3A_112 : i32 to index
          %swap3A_163 = arith.constant 48 : index
          %swap3A_164 = tpu.vector_load %arg14[%swap3A_162, %swap3A_163] {strides = array<i32>} : memref<128x128xf32, #tpu.memory_space<vmem>>, vector<1x16xf32>,
          %swap3A_165 = vector.shape_cast %swap3A_164 : vector<1x16xf32> to vector<16xf32>
          %swap3A_166 = vector.shape_cast %add3A_161 : vector<16xf32> to vector<1x16xf32>
          tpu.vector_store %arg14[%swap3A_162, %swap3A_163], %swap3A_166 {strides = array<i32>} : memref<128x128xf32, #tpu.memory_space<vmem>>, vector<1x16xf32>,
          %get3A_167 = arith.index_cast %scan3A_112 : i32 to index
          %get3A_168 = arith.constant 64 : index
          %get3A_169 = tpu.vector_load %arg10[%get3A_167, %get3A_168] {strides = array<i32>} : memref<128x128xf32, #tpu.memory_space<vmem>>, vector<1x16xf32>,
          %get3A_170 = vector.shape_cast %get3A_169 : vector<1x16xf32> to vector<16xf32>
          %get3A_171 = arith.index_cast %scan3A_112 : i32 to index
          %get3A_172 = arith.constant 64 : index
          %get3A_173 = tpu.vector_load %arg12[%get3A_171, %get3A_172] {strides = array<i32>} : memref<128x128xf32, #tpu.memory_space<vmem>>, vector<1x16xf32>,
          %get3A_174 = vector.shape_cast %get3A_173 : vector<1x16xf32> to vector<16xf32>
          %add3A_175 = arith.addf %get3A_170, %get3A_174 : vector<16xf32>
          %swap3A_176 = arith.index_cast %scan3A_112 : i32 to index
          %swap3A_177 = arith.constant 64 : index
          %swap3A_178 = tpu.vector_load %arg14[%swap3A_176, %swap3A_177] {strides = array<i32>} : memref<128x128xf32, #tpu.memory_space<vmem>>, vector<1x16xf32>,
          %swap3A_179 = vector.shape_cast %swap3A_178 : vector<1x16xf32> to vector<16xf32>
          %swap3A_180 = vector.shape_cast %add3A_175 : vector<16xf32> to vector<1x16xf32>
          tpu.vector_store %arg14[%swap3A_176, %swap3A_177], %swap3A_180 {strides = array<i32>} : memref<128x128xf32, #tpu.memory_space<vmem>>, vector<1x16xf32>,
          %get3A_181 = arith.index_cast %scan3A_112 : i32 to index
          %get3A_182 = arith.constant 80 : index
          %get3A_183 = tpu.vector_load %arg10[%get3A_181, %get3A_182] {strides = array<i32>} : memref<128x128xf32, #tpu.memory_space<vmem>>, vector<1x16xf32>,
          %get3A_184 = vector.shape_cast %get3A_183 : vector<1x16xf32> to vector<16xf32>
          %get3A_185 = arith.index_cast %scan3A_112 : i32 to index
          %get3A_186 = arith.constant 80 : index
          %get3A_187 = tpu.vector_load %arg12[%get3A_185, %get3A_186] {strides = array<i32>} : memref<128x128xf32, #tpu.memory_space<vmem>>, vector<1x16xf32>,
          %get3A_188 = vector.shape_cast %get3A_187 : vector<1x16xf32> to vector<16xf32>
          %add3A_189 = arith.addf %get3A_184, %get3A_188 : vector<16xf32>
          %swap3A_190 = arith.index_cast %scan3A_112 : i32 to index
          %swap3A_191 = arith.constant 80 : index
          %swap3A_192 = tpu.vector_load %arg14[%swap3A_190, %swap3A_191] {strides = array<i32>} : memref<128x128xf32, #tpu.memory_space<vmem>>, vector<1x16xf32>,
          %swap3A_193 = vector.shape_cast %swap3A_192 : vector<1x16xf32> to vector<16xf32>
          %swap3A_194 = vector.shape_cast %add3A_189 : vector<16xf32> to vector<1x16xf32>
          tpu.vector_store %arg14[%swap3A_190, %swap3A_191], %swap3A_194 {strides = array<i32>} : memref<128x128xf32, #tpu.memory_space<vmem>>, vector<1x16xf32>,
          %get3A_195 = arith.index_cast %scan3A_112 : i32 to index
          %get3A_196 = arith.constant 96 : index
          %get3A_197 = tpu.vector_load %arg10[%get3A_195, %get3A_196] {strides = array<i32>} : memref<128x128xf32, #tpu.memory_space<vmem>>, vector<1x16xf32>,
          %get3A_198 = vector.shape_cast %get3A_197 : vector<1x16xf32> to vector<16xf32>
          %get3A_199 = arith.index_cast %scan3A_112 : i32 to index
          %get3A_200 = arith.constant 96 : index
          %get3A_201 = tpu.vector_load %arg12[%get3A_199, %get3A_200] {strides = array<i32>} : memref<128x128xf32, #tpu.memory_space<vmem>>, vector<1x16xf32>,
          %get3A_202 = vector.shape_cast %get3A_201 : vector<1x16xf32> to vector<16xf32>
          %add3A_203 = arith.addf %get3A_198, %get3A_202 : vector<16xf32>
          %swap3A_204 = arith.index_cast %scan3A_112 : i32 to index
          %swap3A_205 = arith.constant 96 : index
          %swap3A_206 = tpu.vector_load %arg14[%swap3A_204, %swap3A_205] {strides = array<i32>} : memref<128x128xf32, #tpu.memory_space<vmem>>, vector<1x16xf32>,
          %swap3A_207 = vector.shape_cast %swap3A_206 : vector<1x16xf32> to vector<16xf32>
          %swap3A_208 = vector.shape_cast %add3A_203 : vector<16xf32> to vector<1x16xf32>
          tpu.vector_store %arg14[%swap3A_204, %swap3A_205], %swap3A_208 {strides = array<i32>} : memref<128x128xf32, #tpu.memory_space<vmem>>, vector<1x16xf32>,
          %get3A_209 = arith.index_cast %scan3A_112 : i32 to index
          %get3A_210 = arith.constant 112 : index
          %get3A_211 = tpu.vector_load %arg10[%get3A_209, %get3A_210] {strides = array<i32>} : memref<128x128xf32, #tpu.memory_space<vmem>>, vector<1x16xf32>,
          %get3A_212 = vector.shape_cast %get3A_211 : vector<1x16xf32> to vector<16xf32>
          %get3A_213 = arith.index_cast %scan3A_112 : i32 to index
          %get3A_214 = arith.constant 112 : index
          %get3A_215 = tpu.vector_load %arg12[%get3A_213, %get3A_214] {strides = array<i32>} : memref<128x128xf32, #tpu.memory_space<vmem>>, vector<1x16xf32>,
          %get3A_216 = vector.shape_cast %get3A_215 : vector<1x16xf32> to vector<16xf32>
          %add3A_217 = arith.addf %get3A_212, %get3A_216 : vector<16xf32>
          %swap3A_218 = arith.index_cast %scan3A_112 : i32 to index
          %swap3A_219 = arith.constant 112 : index
          %swap3A_220 = tpu.vector_load %arg14[%swap3A_218, %swap3A_219] {strides = array<i32>} : memref<128x128xf32, #tpu.memory_space<vmem>>, vector<1x16xf32>,
          %swap3A_221 = vector.shape_cast %swap3A_220 : vector<1x16xf32> to vector<16xf32>
          %swap3A_222 = vector.shape_cast %add3A_217 : vector<16xf32> to vector<1x16xf32>
          tpu.vector_store %arg14[%swap3A_218, %swap3A_219], %swap3A_222 {strides = array<i32>} : memref<128x128xf32, #tpu.memory_space<vmem>>, vector<1x16xf32>,
        }
        %scan3A_107 = arith.constant 128 : i32
        %dma_start3A_108 = arith.constant 0 : i32
        %dma_start3A_109 = tpu.memref_slice %arg6[%mul3A_84, %dma_start3A_108] : memref<320000x128xf32, #tpu.memory_space<hbm>> -> memref<128x128xf32, #tpu.memory_space<hbm>>
        %dma_start3A_110 = arith.constant 0 : i32
        %dma_start3A_111 = tpu.memref_slice %arg6[%mul3A_84, %dma_start3A_110] : memref<320000x128xf32, #tpu.memory_space<hbm>> -> memref<128x128xf32, #tpu.memory_space<hbm>>
        tpu.enqueue_dma source(%arg14 : memref<128x128xf32, #tpu.memory_space<vmem>>) target(%dma_start3A_111 : memref<128x128xf32, #tpu.memory_space<hbm>>) target_semaphore(%arg18 : memref<!tpu.dma_semaphore, #tpu.memory_space<semaphore_mem>>)
      } else {
      }
      %add3A_76 = arith.constant 3 : i32
      %add3A_77 = arith.addi %mul3A_59, %add3A_76 : i32
      %lt3A_78 = arith.cmpi slt, %add3A_77, %add3A_4 : i32
      %convert_element_type3A_79 = arith.extui %lt3A_78 : i1 to i32
      %cond3A_80 = arith.constant 0 : i32
      %cond3A_81 = arith.cmpi ne, %convert_element_type3A_79, %cond3A_80 : i32
      scf.if %cond3A_81 {
        %mul3A_82 = arith.constant 128 : i32
        %mul3A_83 = arith.muli %add3A_77, %mul3A_82 : i32
        %dma_start3A_84 = tpu.memref_slice %arg7[%mul3A_83] : memref<10112xi32, #tpu.memory_space<vmem>> -> memref<128xi32, #tpu.memory_space<vmem>>
        %dma_start3A_85 = arith.constant 0 : i32
        %dma_start3A_86 = arith.constant 0 : i32
        %dma_start3A_87 = tpu.memref_slice %arg2[%dma_start3A_85, %dma_start3A_86] : memref<10000x128xf32, #tpu.memory_space<hbm>> -> memref<10000x128xf32, #tpu.memory_space<hbm>>
        tpu.enqueue_indirect_dma source(%dma_start3A_87 : memref<10000x128xf32, #tpu.memory_space<hbm>>) target(%arg10 : memref<128x128xf32, #tpu.memory_space<vmem>>) offsets(%dma_start3A_84 : memref<128xi32, #tpu.memory_space<vmem>>) semaphore(%arg16 : memref<!tpu.dma_semaphore, #tpu.memory_space<semaphore_mem>>)
        %mul3A_88 = arith.constant 128 : i32
        %mul3A_89 = arith.muli %add3A_77, %mul3A_88 : i32
        %dma_start3A_90 = tpu.memref_slice %arg8[%mul3A_89] : memref<10112xi32, #tpu.memory_space<vmem>> -> memref<128xi32, #tpu.memory_space<vmem>>
        %dma_start3A_91 = arith.constant 0 : i32
        %dma_start3A_92 = arith.constant 0 : i32
        %dma_start3A_93 = tpu.memref_slice %arg3[%dma_start3A_91, %dma_start3A_92] : memref<10000x128xf32, #tpu.memory_space<hbm>> -> memref<10000x128xf32, #tpu.memory_space<hbm>>
        tpu.enqueue_indirect_dma source(%dma_start3A_93 : memref<10000x128xf32, #tpu.memory_space<hbm>>) target(%arg12 : memref<128x128xf32, #tpu.memory_space<vmem>>) offsets(%dma_start3A_90 : memref<128xi32, #tpu.memory_space<vmem>>) semaphore(%arg16 : memref<!tpu.dma_semaphore, #tpu.memory_space<semaphore_mem>>)
      } else {
      }
    }
    %scan3A_56 = arith.constant 40 : i32
    return
  }
}

module attributes {stable_mosaic.version = 14 : i64} {
  func.func @_nodeproj_body(%arg0: i32, %arg1: memref<2000x128xf32, #tpu.memory_space<vmem>>, %arg2: memref<128x128xf32, #tpu.memory_space<vmem>>, %arg3: memref<128x128xf32, #tpu.memory_space<vmem>>, %arg4: memref<2000x128xf32, #tpu.memory_space<vmem>>, %arg5: memref<2000x128xf32, #tpu.memory_space<vmem>>) attributes {dimension_semantics = [#tpu.dimension_semantics<arbitrary>], iteration_bounds = array<i64: 5>, scalar_prefetch = 0 : i64, scratch_operands = 0 : i64, tpu.core_type = #tpu.core_type<tc>, window_params = [{transform_indices = @transform_0, window_bounds = array<i64: 2000, 128>}, {pipeline_mode = #tpu.pipeline_mode<synchronous>, transform_indices = @transform_1, window_bounds = array<i64: 128, 128>}, {pipeline_mode = #tpu.pipeline_mode<synchronous>, transform_indices = @transform_2, window_bounds = array<i64: 128, 128>}, {transform_indices = @transform_3, window_bounds = array<i64: 2000, 128>}, {transform_indices = @transform_4, window_bounds = array<i64: 2000, 128>}]} {
    %get3A = arith.constant 0 : index
    %get3A_0 = arith.constant 0 : index
    %get3A_1 = vector.load %arg1[%get3A, %get3A_0] : memref<2000x128xf32, #tpu.memory_space<vmem>>, vector<2000x128xf32>
    %get3A_2 = arith.constant 0 : index
    %get3A_3 = arith.constant 0 : index
    %get3A_4 = vector.load %arg2[%get3A_2, %get3A_3] : memref<128x128xf32, #tpu.memory_space<vmem>>, vector<128x128xf32>
    %dot_general3A = arith.constant dense<0.000000e+00> : vector<2000x128xf32>
    %dot_general3A_5 = tpu.matmul %get3A_1, %get3A_4, %dot_general3A {dimension_numbers = #tpu.dot_dimension_numbers<[1], [0], [0], [1], [0, 0, 1, 1], [], []>, transpose_lhs_hint = false} : vector<2000x128xf32>, vector<128x128xf32>, vector<2000x128xf32> -> vector<2000x128xf32>
    %swap3A = arith.constant 0 : index
    %swap3A_6 = arith.constant 0 : index
    %swap3A_7 = vector.load %arg4[%swap3A, %swap3A_6] : memref<2000x128xf32, #tpu.memory_space<vmem>>, vector<2000x128xf32>
    tpu.vector_store %arg4[%swap3A, %swap3A_6], %dot_general3A_5 {strides = array<i32>} : memref<2000x128xf32, #tpu.memory_space<vmem>>, vector<2000x128xf32>,
    %get3A_8 = arith.constant 0 : index
    %get3A_9 = arith.constant 0 : index
    %get3A_10 = vector.load %arg3[%get3A_8, %get3A_9] : memref<128x128xf32, #tpu.memory_space<vmem>>, vector<128x128xf32>
    %dot_general3A_11 = arith.constant dense<0.000000e+00> : vector<2000x128xf32>
    %dot_general3A_12 = tpu.matmul %get3A_1, %get3A_10, %dot_general3A_11 {dimension_numbers = #tpu.dot_dimension_numbers<[1], [0], [0], [1], [0, 0, 1, 1], [], []>, transpose_lhs_hint = false} : vector<2000x128xf32>, vector<128x128xf32>, vector<2000x128xf32> -> vector<2000x128xf32>
    %swap3A_13 = arith.constant 0 : index
    %swap3A_14 = arith.constant 0 : index
    %swap3A_15 = vector.load %arg5[%swap3A_13, %swap3A_14] : memref<2000x128xf32, #tpu.memory_space<vmem>>, vector<2000x128xf32>
    tpu.vector_store %arg5[%swap3A_13, %swap3A_14], %dot_general3A_12 {strides = array<i32>} : memref<2000x128xf32, #tpu.memory_space<vmem>>, vector<2000x128xf32>,
    return
  }
  func.func @transform_0(%arg0: i32) -> (i32, i32) {
    %c0_i32 = arith.constant 0 : i32
    %c0_i32_0 = arith.constant 0 : i32
    return %arg0, %c0_i32 : i32, i32
  }
  func.func @transform_1(%arg0: i32) -> (i32, i32) {
    %c0_i32 = arith.constant 0 : i32
    %c0_i32_0 = arith.constant 0 : i32
    %c0_i32_1 = arith.constant 0 : i32
    return %c0_i32, %c0_i32_0 : i32, i32
  }
  func.func @transform_2(%arg0: i32) -> (i32, i32) {
    %c0_i32 = arith.constant 0 : i32
    %c0_i32_0 = arith.constant 0 : i32
    %c0_i32_1 = arith.constant 0 : i32
    return %c0_i32, %c0_i32_0 : i32, i32
  }
  func.func @transform_3(%arg0: i32) -> (i32, i32) {
    %c0_i32 = arith.constant 0 : i32
    %c0_i32_0 = arith.constant 0 : i32
    return %arg0, %c0_i32 : i32, i32
  }
  func.func @transform_4(%arg0: i32) -> (i32, i32) {
    %c0_i32 = arith.constant 0 : i32
    %c0_i32_0 = arith.constant 0 : i32
    return %arg0, %c0_i32 : i32, i32
  }
}

module attributes {stable_mosaic.version = 14 : i64} {
  func.func @_edge_body(%arg0: i32, %arg1: memref<8000x16xf32, #tpu.memory_space<vmem>>, %arg2: memref<16x128xf32, #tpu.memory_space<vmem>>, %arg3: memref<1x128xf32, #tpu.memory_space<vmem>>, %arg4: memref<8000x128xf32, #tpu.memory_space<vmem>>, %arg5: memref<8000x128xf32, #tpu.memory_space<vmem>>) attributes {dimension_semantics = [#tpu.dimension_semantics<arbitrary>], iteration_bounds = array<i64: 40>, scalar_prefetch = 0 : i64, scratch_operands = 0 : i64, tpu.core_type = #tpu.core_type<tc>, window_params = [{transform_indices = @transform_0, window_bounds = array<i64: 8000, 16>}, {pipeline_mode = #tpu.pipeline_mode<synchronous>, transform_indices = @transform_1, window_bounds = array<i64: 16, 128>}, {pipeline_mode = #tpu.pipeline_mode<synchronous>, transform_indices = @transform_2, window_bounds = array<i64: 1, 128>}, {transform_indices = @transform_3, window_bounds = array<i64: 8000, 128>}, {transform_indices = @transform_4, window_bounds = array<i64: 8000, 128>}]} {
    %get3A = arith.constant 0 : index
    %get3A_0 = arith.constant 0 : index
    %get3A_1 = vector.load %arg4[%get3A, %get3A_0] : memref<8000x128xf32, #tpu.memory_space<vmem>>, vector<8000x128xf32>
    %get3A_2 = arith.constant 0 : index
    %get3A_3 = arith.constant 0 : index
    %get3A_4 = vector.load %arg1[%get3A_2, %get3A_3] : memref<8000x16xf32, #tpu.memory_space<vmem>>, vector<8000x16xf32>
    %get3A_5 = arith.constant 0 : index
    %get3A_6 = arith.constant 0 : index
    %get3A_7 = vector.load %arg2[%get3A_5, %get3A_6] : memref<16x128xf32, #tpu.memory_space<vmem>>, vector<16x128xf32>
    %dot_general3A = arith.constant dense<0.000000e+00> : vector<8000x128xf32>
    %dot_general3A_8 = tpu.matmul %get3A_4, %get3A_7, %dot_general3A {dimension_numbers = #tpu.dot_dimension_numbers<[1], [0], [0], [1], [0, 0, 1, 1], [], []>, transpose_lhs_hint = false} : vector<8000x16xf32>, vector<16x128xf32>, vector<8000x128xf32> -> vector<8000x128xf32>
    %add3A = arith.addf %get3A_1, %dot_general3A_8 : vector<8000x128xf32>
    %get3A_9 = arith.constant 0 : index
    %get3A_10 = arith.constant 0 : index
    %get3A_11 = vector.load %arg3[%get3A_9, %get3A_10] : memref<1x128xf32, #tpu.memory_space<vmem>>, vector<1x128xf32>
    %add3A_12 = vector.broadcast %get3A_11 : vector<1x128xf32> to vector<8000x128xf32>
    %add3A_13 = arith.addf %add3A, %add3A_12 : vector<8000x128xf32>
    %swap3A = arith.constant 0 : index
    %swap3A_14 = arith.constant 0 : index
    %swap3A_15 = vector.load %arg5[%swap3A, %swap3A_14] : memref<8000x128xf32, #tpu.memory_space<vmem>>, vector<8000x128xf32>
    tpu.vector_store %arg5[%swap3A, %swap3A_14], %add3A_13 {strides = array<i32>} : memref<8000x128xf32, #tpu.memory_space<vmem>>, vector<8000x128xf32>,
    return
  }
  func.func @transform_0(%arg0: i32) -> (i32, i32) {
    %c0_i32 = arith.constant 0 : i32
    %c0_i32_0 = arith.constant 0 : i32
    return %arg0, %c0_i32 : i32, i32
  }
  func.func @transform_1(%arg0: i32) -> (i32, i32) {
    %c0_i32 = arith.constant 0 : i32
    %c0_i32_0 = arith.constant 0 : i32
    %c0_i32_1 = arith.constant 0 : i32
    return %c0_i32, %c0_i32_0 : i32, i32
  }
  func.func @transform_2(%arg0: i32) -> (i32, i32) {
    %c0_i32 = arith.constant 0 : i32
    %c0_i32_0 = arith.constant 0 : i32
    %c0_i32_1 = arith.constant 0 : i32
    return %c0_i32, %c0_i32_0 : i32, i32
  }
  func.func @transform_3(%arg0: i32) -> (i32, i32) {
    %c0_i32 = arith.constant 0 : i32
    %c0_i32_0 = arith.constant 0 : i32
    return %arg0, %c0_i32 : i32, i32
  }
  func.func @transform_4(%arg0: i32) -> (i32, i32) {
    %c0_i32 = arith.constant 0 : i32
    %c0_i32_0 = arith.constant 0 : i32
    return %arg0, %c0_i32 : i32, i32
  }
}

</mosaic_0001>

<sc_bundles>
// kernel: kernel.5.cloned.1.call-start
scs
__scs_entry_jumppad:
0x0: {  	(pc) =	sbr.rel $0x88, $3  }
0x1: {  	(tag) =	ssettag $0x0;
	lr =	simm.s32 $0x1  }
0x2: {  	[smem:$0x3F9C] =	sst lr;
	_ =	strace $0xD0000000  }
0x3: {  	_ = 	snop  }
0x4: {  	_ = 	snop  }
0x5: {  	_ = 	snop  }
0x6: {  	_ = 	snop  }
0x7: {  	_ = 	snop  }
__scs_overlays_trampoline_lowered:
0x8: {  	[smem:$0x3FAB] =	sst s0  }
0x9: {  	[smem:$0x3FAC] =	sst s1  }
0xa: {  	[smem:$0x3FAD] =	sst s2  }
0xb: {  	[smem:$0x3FAE] =	sst s3  }
0xc: {  	[smem:$0x3FAF] =	sst s4  }
0xd: {  	[smem:$0x3FB0] =	sst s5  }
0xe: {  	[smem:$0x3FB1] =	sst s6  }
0xf: {  	[smem:$0x3FB2] =	sst s7  }
0x10: {  	[smem:$0x3FB3] =	sst s8  }
0x11: {  	[smem:$0x3FB4] =	sst s9;
	s0 =	simm.s32 @!p0 $0x0  }
0x12: {  	s1 =	sld [smem:$0x3F9A];
	s0 =	simm.s32 @p0 $0x1  }
0x13: {  	[smem:$0x3FB5] =	sst s0;
	s0 =	simm.s32 @!p1 $0x0  }
0x14: {  	s2 =	sld [smem:$0x3F99];
	s0 =	simm.s32 @p1 $0x1  }
0x15: {  	[smem:$0x3FB6] =	sst s0;
	s0 =	simm.s32 @!p2 $0x0  }
0x16: {  	s3 =	sld [smem:$0x3FDB];
	s0 =	simm.s32 @p2 $0x1  }
0x17: {  	s4 =	simm.s32 $0x1BF5;
	[smem:$0x3FB8] =	sst s0  }
0x18: {  	s0 =	sld [smem:$0x3F9B];
	_ =	swait.ge [sflag:s4], $0x0  }
0x19: {  	s7 =	sld [smem:$0x3F9C]  }
0x1a: {  	s8 =	sadd.s32 $0xFFFFE003, lr  }
0x1b: {  	s9 =	sadd.s32 $0xFFFFFEF7, lr;
	s5 =	simm.s32 $0xFFFFFFFF;
	p2 =	slt.u32 s8, $0xFFFFF086  }
0x1c: {  	p1 =	slt.u32 s9, $0xF7A;
	s5 =	simm.s32 @!p2 $0x0  }
0x1d: {  	s5 =	simm.s32 @p1 $0x1;
	p0 =	seq.s32 s7, s2  }
0x1e: {  	s7 =	smul.u32 @!p0 $0xF7A, s2;
	p2 =	seq.s32 @!p0 s5, $0x0  }
0x1f: {  	s9 =	smul.u32 $0xF7A, s1;
	s8 =	simm.s32 @!p0 $0x1BF5;
	p2 =	por !p2, p0  }
0x20: {  	[sflag:s8] =	ssyncset.s32 @!p0 $0xFFFFF086;
	s6 =	sadd.s32 @!p0 s3, s7;
	s7 =	simm.s32 @!p0 $0x108  }
0x21: {  	s3 =	sadd.s32 s3, s9;
	s6 =	sadd.s32 @!p0 $0x88, s6;
	s7 =	simm.s32 @p2 $0x1082  }
0x22: {  	[simem:s7], [sflag:s8] =	dma.local @!p0 [hbm:s6], $0xF7A  }
0x23: {  	s9 =	sor.u32 $0xD0000000, s2;
	s6 =	simm.s32 $0x108;
	_ =	swait.ge @!p0 [sflag:s8], $0x0  }
0x24: {  	s3 =	sadd.s32 $0x88, s3;
	s6 =	simm.s32 @!p1 $0x1082;
	[sflag:s4] =	ssyncset.s32 $0xFFFFF086  }
0x25: {  	[simem:s6], [sflag:s4] =	dma.local [hbm:s3], $0xF7A  }
0x26: {  	[smem:$0x3F9C] =	sst s1;
	(tag) =	ssettag s2;
	_ =	strace s9  }
0x27: {  	s1 =	sld [smem:$0x3FAC]  }
0x28: {  	s2 =	sld [smem:$0x3FAD]  }
0x29: {  	s4 =	sld [smem:$0x3FAF]  }
0x2a: {  	p0 =	seq.s32 s5, $0x0;
	s5 =	sld [smem:$0x3FB0]  }
0x2b: {  	s6 =	sld [smem:$0x3FB1]  }
0x2c: {  	s7 =	sld [smem:$0x3FB2]  }
0x2d: {  	s3 =	simm.s32 $0x108;
	s8 =	sld [smem:$0x3FB3]  }
0x2e: {  	s3 =	simm.s32 @!p0 $0x1082;
	s9 =	sld [smem:$0x3FB4]  }
0x2f: {  	lr =	sadd.s32 s0, s3;
	s0 =	sld [smem:$0x3FAB]  }
0x30: {  	s3 =	sld [smem:$0x3FAE]  }
0x31: {  	[smem:$0x3FB7] =	sst s10  }
0x32: {  	s10 =	sld [smem:$0x3FB5];
	_ =	sdelay $0x3  }
0x33: {  	p0 =	seq.s32 s10, $0x1;
	s10 =	sld [smem:$0x3FB7];
	_ =	sdelay $0x3  }
0x34: {  	[smem:$0x3FB7] =	sst s10  }
0x35: {  	s10 =	sld [smem:$0x3FB6];
	_ =	sdelay $0x3  }
0x36: {  	p1 =	seq.s32 s10, $0x1;
	s10 =	sld [smem:$0x3FB7];
	_ =	sdelay $0x3  }
0x37: {  	[smem:$0x3FB7] =	sst s10  }
0x38: {  	s10 =	sld [smem:$0x3FB8]  }
0x39: {  	_ = 	snop;
	(pc) =	sbr.ind lr, $3  }
0x3a: {  	_ = 	snop  }
0x3b: {  	_ = 	snop  }
0x3c: {  	p2 =	seq.s32 s10, $0x1;
	s10 =	sld [smem:$0x3FB7]  }
0x3d: {  	_ =	shalt  }
0x3e: {  	_ =	shalt  }
0x3f: {  	_ =	shalt  }
0x40: {  	_ =	shalt  }
0x41: {  	_ =	shalt  }
0x42: {  	_ =	shalt  }
0x43: {  	_ =	shalt  }
0x44: {  	_ =	shalt  }
0x45: {  	_ =	shalt  }
0x46: {  	_ =	shalt  }
0x47: {  	_ =	shalt  }
0x48: {  	_ =	shalt  }
0x49: {  	_ =	shalt  }
0x4a: {  	_ =	shalt  }
0x4b: {  	_ =	shalt  }
0x4c: {  	_ =	shalt  }
0x4d: {  	_ =	shalt  }
0x4e: {  	_ =	shalt  }
0x4f: {  	_ =	shalt  }
0x50: {  	_ =	shalt  }
0x51: {  	_ =	shalt  }
0x52: {  	_ =	shalt  }
0x53: {  	_ =	shalt  }
0x54: {  	_ =	shalt  }
0x55: {  	_ =	shalt  }
0x56: {  	_ =	shalt  }
0x57: {  	_ =	shalt  }
0x58: {  	_ =	shalt  }
0x59: {  	_ =	shalt  }
0x5a: {  	_ =	shalt  }
0x5b: {  	_ =	shalt  }
0x5c: {  	_ =	shalt  }
0x5d: {  	_ =	shalt  }
0x5e: {  	_ =	shalt  }
0x5f: {  	_ =	shalt  }
0x60: {  	_ =	shalt  }
0x61: {  	_ =	shalt  }
0x62: {  	_ =	shalt  }
0x63: {  	_ =	shalt  }
0x64: {  	_ =	shalt  }
0x65: {  	_ =	shalt  }
0x66: {  	_ =	shalt  }
0x67: {  	_ =	shalt  }
0x68: {  	_ =	shalt  }
0x69: {  	_ =	shalt  }
0x6a: {  	_ =	shalt  }
0x6b: {  	_ =	shalt  }
0x6c: {  	_ =	shalt  }
0x6d: {  	_ =	shalt  }
0x6e: {  	_ =	shalt  }
0x6f: {  	_ =	shalt  }
0x70: {  	_ =	shalt  }
0x71: {  	_ =	shalt  }
0x72: {  	_ =	shalt  }
0x73: {  	_ =	shalt  }
0x74: {  	_ =	shalt  }
0x75: {  	_ =	shalt  }
0x76: {  	_ =	shalt  }
0x77: {  	_ =	shalt  }
0x78: {  	_ =	shalt  }
0x79: {  	_ =	shalt  }
0x7a: {  	_ =	shalt  }
0x7b: {  	_ =	shalt  }
0x7c: {  	_ =	shalt  }
0x7d: {  	_ =	shalt  }
0x7e: {  	_ =	shalt  }
0x7f: {  	_ =	shalt  }
0x80: {  	_ =	shalt  }
0x81: {  	_ =	shalt  }
0x82: {  	_ =	shalt  }
0x83: {  	_ =	shalt  }
0x84: {  	_ =	shalt  }
0x85: {  	_ =	shalt  }
0x86: {  	_ =	shalt  }
0x87: {  	_ =	shalt  }
.Lfunc_end0:
.L_simem_size_0:
called_computation_lowered:
.L_overlay_start_0:
0x88: {  	s2 =	sld [smem:$0x3FD9]  }
0x89: {  	s3 =	sld [smem:$0x3FFE];
	_ =	sdelay $0x1  }
0x8a: {  	s1 =	srdreg.scid  }
0x8b: {  	s0 =	sand.u32 $0x1, s1  }
0x8c: {  	s17 =	sshll.u32 s0, $0xA;
	s2 =	sadd.s32 s3, s2  }
0x8d: {  	s2 =	sadd.s32 s2, s17  }
0x8e: {  	[smem:$0x3FC3] =	sst s2  }
0x8f: {  	_ = 	snop  }
0x90: {  	s2 =	sld [smem:$0x3FD0];
	(tm) =	ssettm $0x1  }
0x91: {  	s18 =	sld [smem:$0x3FFB];
	_ =	sdelay $0x3  }
0x92: {  	_ =	strace s18  }
0x93: {  	s3 =	sld [smem:$0x3FFC];
	_ =	sdelay $0x3  }
0x94: {  	_ =	strace s3  }
0x95: {  	s3 =	sld [smem:$0x3FFD];
	_ =	sdelay $0x3  }
0x96: {  	_ =	strace s3  }
0x97: {  	_ =	strace $0x8FFFFFFF  }
0x98: {  	s19 =	sld [smem:$0x3FDB];
	_ =	sdelay $0x1  }
0x99: {  	s4 =	simm.s32 $_scs_section_size  }
0x9a: {  	s5 =	simm.s32 $_size__tile_overlayer_lowered;
	s6 =	simm.s32 $_tile_overlayer_lowered  }
0x9b: {  	s22 =	simm.s32 $0x1BFF;
	s21 =	sshll.u32 s6, $0x1;
	s3 =	sadd.s32 s4, s19  }
0x9c: {  	s7 =	simm.s32 $0x0;
	s20 =	sshll.u32 s5, $0x1;
	s5 =	sadd.s32 s21, s3  }
0x9d: {  	[timem:s7], [sflag:s22] =	dma.local [hbm:s5], s20  }
0x9e: {  	_ =	swait.ge [sflag:s22], s20  }
0x9f: {  	s4 =	ssub.s32 $0x0, s20;
	[sflag:s22] =	ssyncset.done $0x0  }
0xa0: {  	[sflag:s22] =	ssyncadd.s32 s4;
	_ =	sdelay $0x1  }
0xa1: {  	s23 =	simm.s32 $0x1B8B  }
0xa2: {  	_ =	swait.ge [sflag:s23], $0x1  }
0xa3: {  	[sflag:s23] =	ssyncset.done $0x0  }
0xa4: {  	s25 =	simm.s32 $0x1B8E;
	s24 =	sld [smem:$0x3FFE];
	[sflag:s23] =	ssyncadd.s32 $0xFFFFFFFF  }
0xa5: {  	s26 =	simm.s32 $execute0_lowered;
	[smem:$0x3FD2] =	sst s25  }
0xa6: {  	s5 =	sshll.u32 s26, $0x1;
	_ =	strace $0x80000046;
	[dreg:$0x1] =	wrdreg $0xFFFFFFFF  }
0xa7: {  	s28 =	simm.s32 $_size_execute0_lowered;
	s3 =	sadd.s32 s3, s5;
	[dreg:$0x0] =	wrdreg $0x0  }
0xa8: {  	s5 =	sshll.u32 s28, $0x1;
	[dreg:$0x2] =	wrdreg s3  }
0xa9: {  	[dreg:$0x3] =	wrdreg s5  }
0xaa: {  	[dreg:$0x4] =	wrdreg $0xC0  }
0xab: {  	_ =	task [dreg:s7], $0x5FFFF  }
0xac: {  	[dreg:$0x1] =	wrdreg $0xFFFFFFFF  }
0xad: {  	[dreg:$0x0] =	wrdreg $0x60  }
0xae: {  	[dreg:$0x2] =	wrdreg s2  }
0xaf: {  	[dreg:$0x3] =	wrdreg s24  }
0xb0: {  	[dreg:$0x4] =	wrdreg $0x9  }
0xb1: {  	_ =	task.clear_ibuf [dreg:s7], $0x5FFFF;
	_ =	strace $0x90000046  }
0xb2: {  	s29 =	simm.s32 $0x9;
	_ =	strace $0x80000048  }
0xb3: {  	_ =	swait.ge [sflag:s29], $0x1  }
0xb4: {  	[sflag:s29] =	ssyncadd.s32 $0xFFFFFFFF  }
0xb5: {  	_ =	strace $0x90000048  }
0xb6: {  	_ =	sfence  }
0xb7: {  	s30 =	sld [smem:$0x0];
	_ =	sdelay $0x2  }
0xb8: {  	s31 =	sshll.u32 s1, $0xD;
	s1 =	sshrl.u32 s1, $0x2  }
0xb9: {  	s3 =	sand.u32 $0x4000, s31;
	s1 =	sadd.s32 s1, s30  }
0xba: {  	s0 =	sor.u32 s3, s0;
	s1 =	sshll.u32 s1, $0x11  }
0xbb: {  	s0 =	sor.u32 s1, s0  }
0xbc: {  	s0 =	sadd.s32 $0x8F2B, s0  }
0xbd: {  	[sflag:s0] =	ssyncadd.remote.s32 $0x1  }
0xbe: {  	_ =	sfence.sel $0xFFFF  }
0xbf: {  	[dreg:$0x0] =	wrdreg $0xFFFFFFFF;
	(pc) =	sbr.abs _section_cstart, $3  }
0xc0: {  	[dreg:$0x1] =	wrdreg $0xFFFFFFFF  }
0xc1: {  	_ =	task.clear_ibuf [dreg:s7], $0x2FFFF;
	_ =	strace $0x9FFFFFFF  }
0xc2: {  	(tm) =	ssettm $0x7FFFFFFF  }
0xc3: {  	_ =	shalt  }
tec
execute0_lowered:
.L_overlay_start_1:
0x0: {  	(tag) =	ssettag $0x1  }
0x1: {  	s1 =	rddreg [dreg:$0x0]  }
0x2: {  	s0 =	rddreg [dreg:$0x1];
	s3 =	simm.s32 $0x0;
	s2 =	srdreg.scid  }
0x3: {  	s15 =	stileid.u32;
	s17 =	simm.s32 $0x80;
	s18 =	simm.s32 $0x4F00  }
0x4: {  	s19 =	simm.s32 $0xCF00;
	s20 =	simm.s32 $0x8F00;
	s22 =	simm.s32 $0x10F00  }
0x5: {  	s23 =	simm.s32 $0x1;
	s24 =	simm.s32 $0x14F00;
	s28 =	simm.s32 $0x2  }
0x6: {  	s29 =	simm.s32 $0x18F00;
	s21 =	simm.s32 $0x0;
	[smem:$0x7FF] =	sst s3  }
0x7: {  	s2 =	sand.u32 $0x1, s2;
	s5 =	sshll.u32 s15, $0x1;
	s4 =	sadd.s32 $0x14400, s0  }
0x8: {  	s8 =	sadd.s32 $0xA600, s0;
	s12 =	sadd.s32 $0x800, s0;
	p0 =	slt.u32 s15, $0x2  }
0x9: {  	_ =	strace $0x80000047;
	s5 =	sor.u32 s2, s5;
	s2 =	ssub.s32 $0x2, s2  }
0xa: {  	s6 =	smul.u32 $0x4E, s5;
	s7 =	sshrl.u32 s2, $0x1;
	s9 =	smin.u32 s5, $0x4  }
0xb: {  	s5 =	sadd.s32 $0x3B600, s0;
	s26 =	ssub.s32 s2, s7;
	s7 =	simm.s32 $0x4F  }
0xc: {  	s0 =	simm.s32 $0x3;
	s6 =	sadd.s32 s9, s6;
	s7 =	simm.s32 @!p0 $0x4E  }
.Ltmp0:
0xd: {  	s14 =	smax.u32 s26, $0x1;
	p0 =	sgt.u32 s15, $0x1;
	(pc) =	sbr.rel .LBB2_1-.Ltmp0, $4  }
0xe: {  	s15 =	simm.s32 $0x5;
	s30 =	sshll.u32 s6, $0x4;
	s10 =	sshll.u32 s6, $0xB  }
0xf: {  	s31 =	sadd.s32 s8, s30;
	s9 =	sadd.s32 s12, s30;
	s2 =	sadd.s32 $0x4E0, s30  }
0x10: {  	s10 =	sadd.s32 s5, s10;
	[dreg:$0x3] =	wrdreg s31;
	s11 =	sadd.s32 s8, s2  }
0x11: {  	s12 =	sadd.s32 s12, s2;
	s13 =	sadd.s32 $0x800, s10;
	s2 =	simm.s32 $0x4  }
.LBB2_15:
0x12: {  	s21 =	sadd.s32 $0x1, s21  }
0x13: {  	p1 =	sne.s32 s21, s14  }
.Ltmp1:
0x14: {  	_ = 	snop;
	(pc) =	sbr.rel @!p1 .LBB2_16-.Ltmp1, $1  }
0x15: {  	_ =	sdelay $0x3  }
.LBB2_1:
0x16: {  	s8 =	rddreg [dreg:$0x3]  }
0x17: {  	[tilespmem:s3], [sflag:$0x5] =	stream.linear.gather [hbm4b:s8+s3], $0x2700, $0x38;
	[tilespmem:$0x1CF00] =	vst v63  }
0x18: {  	_ =	swait.ge [sflag:s15], $0x2700  }
0x19: {  	[sflag:s15] =	ssyncset.done $0x0  }
0x1a: {  	s26 =	simm.s32 $0x2780;
	[sflag:s15] =	ssyncadd.s32 $0xFFFFD900  }
0x1b: {  	[tilespmem:s26], [sflag:$0x5] =	stream.linear.gather [hbm4b:s9+s3], $0x2700, $0x38;
	[tilespmem:$0x1CF00] =	vst v63  }
0x1c: {  	_ =	swait.ge [sflag:s15], $0x2700  }
0x1d: {  	[sflag:s15] =	ssyncset.done $0x0  }
0x1e: {  	s16 =	simm.s32 @!p0 $0x2700;
	s8 =	simm.s32 @!p0 $0x0;
	[sflag:s15] =	ssyncadd.s32 $0xFFFFD900  }
0x1f: {  	[tilespmem:s16], [sflag:$0x5] =	stream.linear.gather @!p0 [hbm4b:s11+s8], $0x80, $0x38;
	[tilespmem:$0x1CF00] =	vst v63  }
0x20: {  	s16 =	simm.s32 @!p0 $0x5  }
0x21: {  	_ =	swait.ge @!p0 [sflag:s16], $0x80  }
0x22: {  	[sflag:s16] =	ssyncset.done @!p0 $0x0  }
0x23: {  	s25 =	simm.s32 @!p0 $0x4E80;
	[sflag:s16] =	ssyncadd.s32 @!p0 $0xFFFFFF80  }
0x24: {  	[tilespmem:s25], [sflag:$0x5] =	stream.linear.gather @!p0 [hbm4b:s12+s8], $0x80, $0x38;
	[tilespmem:$0x1CF00] =	vst v63  }
0x25: {  	_ =	swait.ge @!p0 [sflag:s16], $0x80  }
0x26: {  	[sflag:s16] =	ssyncset.done @!p0 $0x0  }
0x27: {  	[sflag:s16] =	ssyncadd.s32 @!p0 $0xFFFFFF80  }
0x28: {  	[tilespmem:s18], [sflag:$0x1] =	stream.indirect.gather [hbm4b:s1+s17], $0x80, s3, s17, $0xb8;
	[tilespmem:$0x1CF00] =	vst v63  }
0x29: {  	_ = 	snop  }
0x2a: {  	[tilespmem:s19], [sflag:$0x1] =	stream.indirect.gather [hbm4b:s4+s17], $0x80, s26, s17, $0xb8;
	[tilespmem:$0x1CF00] =	vst v63  }
0x2b: {  	_ = 	snop  }
0x2c: {  	[tilespmem:s20], [sflag:$0x2] =	stream.indirect.gather [hbm4b:s1+s17], $0x80, s17, s17, $0xb8;
	[tilespmem:$0x1CF00] =	vst v63  }
0x2d: {  	s31 =	simm.s32 $0x2800  }
0x2e: {  	[tilespmem:s22], [sflag:$0x2] =	stream.indirect.gather [hbm4b:s4+s17], $0x80, s31, s17, $0xb8;
	[tilespmem:$0x1CF00] =	vst v63  }
0x2f: {  	_ =	swait.ge [sflag:s23], $0x4000  }
0x30: {  	[sflag:s23] =	ssyncset.done $0x0  }
0x31: {  	[sflag:s23] =	ssyncadd.s32 $0xFFFFC000  }
0x32: {  	_ =	swait.ge [sflag:s23], $0x4000  }
0x33: {  	[sflag:s23] =	ssyncset.done $0x0  }
0x34: {  	s25 =	simm.s32 $0x0;
	[sflag:s23] =	ssyncadd.s32 $0xFFFFC000  }
0x35: {  	v0 =	vld [tilespmem:s25+$0x4F70]  }
0x36: {  	v1 =	vld [tilespmem:s25+$0xCF70]  }
0x37: {  	v2 =	vld [tilespmem:s25+$0x4F00]  }
0x38: {  	v3 =	vld [tilespmem:s25+$0xCF00]  }
0x39: {  	v4 =	vld [tilespmem:s25+$0x4F10]  }
0x3a: {  	v5 =	vld [tilespmem:s25+$0xCF10]  }
0x3b: {  	v6 =	vld [tilespmem:s25+$0x4F20]  }
0x3c: {  	v7 =	vld [tilespmem:s25+$0x4F30]  }
0x3d: {  	v0 =	vadd.f32 v1, v0;
	v1 =	vld [tilespmem:s25+$0xCF20]  }
0x3e: {  	v8 =	vld [tilespmem:s25+$0xCF30]  }
0x3f: {  	v9 =	vld [tilespmem:s25+$0xCF40];
	v2 =	vadd.f32 v3, v2  }
0x40: {  	[tilespmem:s25+$0x14F70] =	vst v0;
	v0 =	vadd.f32 v5, v4;
	v5 =	vld [tilespmem:s25+$0x4F40]  }
0x41: {  	v3 =	vld [tilespmem:s25+$0xCF50];
	[tilespmem:s25+$0x14F00] =	vst v2  }
0x42: {  	v2 =	vld [tilespmem:s25+$0x4F50];
	[tilespmem:s25+$0x14F10] =	vst v0;
	v0 =	vadd.f32 v1, v6  }
0x43: {  	v4 =	vld [tilespmem:s25+$0xCF60];
	v6 =	vadd.f32 v8, v7  }
0x44: {  	s8 =	simm.s32 $0x80;
	[tilespmem:s25+$0x14F20] =	vst v0;
	v0 =	vld [tilespmem:s25+$0x4F60]  }
0x45: {  	s26 =	simm.s32 $0x400;
	v5 =	vadd.f32 v9, v5;
	v1 =	vld [tilespmem:s8+$0x4F70];
	[tilespmem:s25+$0x14F30] =	vst v6  }
.LBB2_2:
0x46: {  	p1 =	sne.s32 s26, $0xFE00;
	v6 =	vld [tilespmem:s8+$0xCF70]  }
0x47: {  	v7 =	vld [tilespmem:s8+$0x4F00];
	[tilespmem:s25+$0x14F40] =	vst v5;
	v2 =	vadd.f32 v3, v2  }
0x48: {  	v3 =	vld [tilespmem:s8+$0xCF00]  }
0x49: {  	v5 =	vld [tilespmem:s8+$0x4F10];
	[tilespmem:s25+$0x14F50] =	vst v2;
	v0 =	vadd.f32 v4, v0  }
0x4a: {  	v2 =	vld [tilespmem:s8+$0xCF10]  }
0x4b: {  	v4 =	vld [tilespmem:s8+$0x4F20];
	v1 =	vadd.f32 v6, v1;
	[tilespmem:s25+$0x14F60] =	vst v0;
	s25 =	smov.u32 s8  }
0x4c: {  	v0 =	vld [tilespmem:s25+$0xCF20]  }
0x4d: {  	v3 =	vadd.f32 v3, v7;
	v6 =	vld [tilespmem:s25+$0x4F30];
	[tilespmem:s25+$0x14F70] =	vst v1  }
0x4e: {  	v1 =	vld [tilespmem:s25+$0xCF30]  }
0x4f: {  	[tilespmem:s25+$0x14F00] =	vst v3;
	v2 =	vadd.f32 v2, v5;
	v5 =	vld [tilespmem:s25+$0x4F40]  }
0x50: {  	v7 =	vld [tilespmem:s25+$0xCF40]  }
.Ltmp2:
0x51: {  	[tilespmem:s25+$0x14F10] =	vst v2;
	v0 =	vadd.f32 v0, v4;
	v2 =	vld [tilespmem:s25+$0x4F50];
	(pc) =	sbr.rel @p1 .LBB2_2-.Ltmp2, $4  }
0x52: {  	v3 =	vld [tilespmem:s25+$0xCF50]  }
0x53: {  	[tilespmem:s25+$0x14F20] =	vst v0;
	v6 =	vadd.f32 v1, v6;
	v0 =	vld [tilespmem:s25+$0x4F60]  }
0x54: {  	s8 =	sshra.s32 s26, $0x2;
	v4 =	vld [tilespmem:s25+$0xCF60]  }
0x55: {  	s26 =	sadd.s32 $0x200, s26;
	v1 =	vld [tilespmem:s8+$0x4F70];
	[tilespmem:s25+$0x14F30] =	vst v6;
	v5 =	vadd.f32 v7, v5  }
0x56: {  	v6 =	vld [tilespmem:s8+$0xCF70]  }
0x57: {  	v7 =	vld [tilespmem:s8+$0x4F00];
	[tilespmem:s25+$0x14F40] =	vst v5;
	v2 =	vadd.f32 v3, v2  }
0x58: {  	v3 =	vld [tilespmem:s8+$0xCF00]  }
0x59: {  	v5 =	vld [tilespmem:s8+$0x4F10];
	[tilespmem:s25+$0x14F50] =	vst v2;
	v0 =	vadd.f32 v4, v0  }
0x5a: {  	v2 =	vld [tilespmem:s8+$0xCF10]  }
0x5b: {  	v4 =	vld [tilespmem:s8+$0x4F20];
	[tilespmem:s25+$0x14F60] =	vst v0  }
0x5c: {  	v0 =	vadd.f32 v6, v1;
	v1 =	vld [tilespmem:s8+$0xCF20]  }
0x5d: {  	v6 =	vld [tilespmem:s8+$0x4F30]  }
0x5e: {  	v3 =	vadd.f32 v3, v7;
	[tilespmem:s8+$0x14F70] =	vst v0;
	v0 =	vld [tilespmem:s8+$0xCF30]  }
0x5f: {  	v7 =	vld [tilespmem:s8+$0xCF60]  }
0x60: {  	[tilespmem:s8+$0x14F00] =	vst v3;
	v2 =	vadd.f32 v2, v5;
	v3 =	vld [tilespmem:s8+$0x4F40]  }
0x61: {  	v5 =	vld [tilespmem:s8+$0xCF40]  }
0x62: {  	[tilespmem:s8+$0x14F10] =	vst v2;
	v1 =	vadd.f32 v1, v4;
	v2 =	vld [tilespmem:s8+$0x4F50]  }
0x63: {  	v4 =	vld [tilespmem:s8+$0xCF50]  }
0x64: {  	[tilespmem:s8+$0x14F20] =	vst v1;
	v1 =	vld [tilespmem:s8+$0x4F60];
	_ =	sdelay $0x1  }
0x65: {  	v0 =	vadd.f32 v0, v6  }
0x66: {  	v3 =	vadd.f32 v5, v3  }
0x67: {  	[tilespmem:s8+$0x14F30] =	vst v0;
	v0 =	vadd.f32 v4, v2  }
0x68: {  	[tilespmem:s8+$0x14F40] =	vst v3;
	v1 =	vadd.f32 v7, v1  }
0x69: {  	[tilespmem:s8+$0x14F50] =	vst v0  }
0x6a: {  	s26 =	simm.s32 $0x0;
	[tilespmem:s8+$0x14F60] =	vst v1  }
0x6b: {  	[hbm4b:s10+s26] =	stream.linear.scatter [tilespmem:s24], [sflag:$0x3], $0x4000, $0x38;
	[tilespmem:$0x1CF00] =	vst v63  }
0x6c: {  	s30 =	simm.s32 $0x100  }
0x6d: {  	[tilespmem:s18], [sflag:$0x1] =	stream.indirect.gather [hbm4b:s1+s17], $0x80, s30, s17, $0xb8;
	[tilespmem:$0x1CF00] =	vst v63  }
0x6e: {  	s31 =	simm.s32 $0x2880  }
0x6f: {  	[tilespmem:s19], [sflag:$0x1] =	stream.indirect.gather [hbm4b:s4+s17], $0x80, s31, s17, $0xb8;
	[tilespmem:$0x1CF00] =	vst v63  }
0x70: {  	_ =	swait.ge [sflag:s28], $0x4000  }
0x71: {  	[sflag:s28] =	ssyncset.done $0x0  }
0x72: {  	[sflag:s28] =	ssyncadd.s32 $0xFFFFC000  }
0x73: {  	_ =	swait.ge [sflag:s28], $0x4000  }
0x74: {  	[sflag:s28] =	ssyncset.done $0x0  }
0x75: {  	s25 =	simm.s32 $0x0;
	[sflag:s28] =	ssyncadd.s32 $0xFFFFC000  }
0x76: {  	v0 =	vld [tilespmem:s25+$0x8F70]  }
0x77: {  	v1 =	vld [tilespmem:s25+$0x10F70]  }
0x78: {  	v2 =	vld [tilespmem:s25+$0x8F00]  }
0x79: {  	v3 =	vld [tilespmem:s25+$0x10F00]  }
0x7a: {  	v4 =	vld [tilespmem:s25+$0x8F10]  }
0x7b: {  	v5 =	vld [tilespmem:s25+$0x10F10]  }
0x7c: {  	v6 =	vld [tilespmem:s25+$0x8F20]  }
0x7d: {  	v7 =	vld [tilespmem:s25+$0x8F30]  }
0x7e: {  	v0 =	vadd.f32 v1, v0;
	v1 =	vld [tilespmem:s25+$0x10F20]  }
0x7f: {  	v8 =	vld [tilespmem:s25+$0x10F30]  }
0x80: {  	v9 =	vld [tilespmem:s25+$0x10F40];
	v2 =	vadd.f32 v3, v2  }
0x81: {  	[tilespmem:s25+$0x18F70] =	vst v0;
	v0 =	vadd.f32 v5, v4;
	v5 =	vld [tilespmem:s25+$0x8F40]  }
0x82: {  	v3 =	vld [tilespmem:s25+$0x10F50];
	[tilespmem:s25+$0x18F00] =	vst v2  }
0x83: {  	v2 =	vld [tilespmem:s25+$0x8F50];
	[tilespmem:s25+$0x18F10] =	vst v0;
	v0 =	vadd.f32 v1, v6  }
0x84: {  	v4 =	vld [tilespmem:s25+$0x10F60];
	v6 =	vadd.f32 v8, v7  }
0x85: {  	s8 =	simm.s32 $0x80;
	[tilespmem:s25+$0x18F20] =	vst v0;
	v0 =	vld [tilespmem:s25+$0x8F60]  }
0x86: {  	s26 =	simm.s32 $0x400;
	v5 =	vadd.f32 v9, v5;
	v1 =	vld [tilespmem:s8+$0x8F70];
	[tilespmem:s25+$0x18F30] =	vst v6  }
.LBB2_4:
0x87: {  	p1 =	sne.s32 s26, $0xFE00;
	v6 =	vld [tilespmem:s8+$0x10F70]  }
0x88: {  	v7 =	vld [tilespmem:s8+$0x8F00];
	[tilespmem:s25+$0x18F40] =	vst v5;
	v2 =	vadd.f32 v3, v2  }
0x89: {  	v3 =	vld [tilespmem:s8+$0x10F00]  }
0x8a: {  	v5 =	vld [tilespmem:s8+$0x8F10];
	[tilespmem:s25+$0x18F50] =	vst v2;
	v0 =	vadd.f32 v4, v0  }
0x8b: {  	v2 =	vld [tilespmem:s8+$0x10F10]  }
0x8c: {  	v4 =	vld [tilespmem:s8+$0x8F20];
	v1 =	vadd.f32 v6, v1;
	[tilespmem:s25+$0x18F60] =	vst v0;
	s25 =	smov.u32 s8  }
0x8d: {  	v0 =	vld [tilespmem:s25+$0x10F20]  }
0x8e: {  	v3 =	vadd.f32 v3, v7;
	v6 =	vld [tilespmem:s25+$0x8F30];
	[tilespmem:s25+$0x18F70] =	vst v1  }
0x8f: {  	v1 =	vld [tilespmem:s25+$0x10F30]  }
0x90: {  	[tilespmem:s25+$0x18F00] =	vst v3;
	v2 =	vadd.f32 v2, v5;
	v5 =	vld [tilespmem:s25+$0x8F40]  }
0x91: {  	v7 =	vld [tilespmem:s25+$0x10F40]  }
.Ltmp3:
0x92: {  	[tilespmem:s25+$0x18F10] =	vst v2;
	v0 =	vadd.f32 v0, v4;
	v2 =	vld [tilespmem:s25+$0x8F50];
	(pc) =	sbr.rel @p1 .LBB2_4-.Ltmp3, $4  }
0x93: {  	v3 =	vld [tilespmem:s25+$0x10F50]  }
0x94: {  	[tilespmem:s25+$0x18F20] =	vst v0;
	v6 =	vadd.f32 v1, v6;
	v0 =	vld [tilespmem:s25+$0x8F60]  }
0x95: {  	s8 =	sshra.s32 s26, $0x2;
	v4 =	vld [tilespmem:s25+$0x10F60]  }
0x96: {  	s26 =	sadd.s32 $0x200, s26;
	v1 =	vld [tilespmem:s8+$0x8F70];
	[tilespmem:s25+$0x18F30] =	vst v6;
	v5 =	vadd.f32 v7, v5  }
0x97: {  	v6 =	vld [tilespmem:s8+$0x10F70]  }
0x98: {  	v7 =	vld [tilespmem:s8+$0x8F00];
	[tilespmem:s25+$0x18F40] =	vst v5;
	v2 =	vadd.f32 v3, v2  }
0x99: {  	v51 =	vld [tilespmem:s8+$0x10F00]  }
0x9a: {  	v5 =	vld [tilespmem:s8+$0x8F10];
	[tilespmem:s25+$0x18F50] =	vst v2;
	v0 =	vadd.f32 v4, v0  }
0x9b: {  	v2 =	vld [tilespmem:s8+$0x10F10]  }
0x9c: {  	v52 =	vld [tilespmem:s8+$0x8F20];
	[tilespmem:s25+$0x18F60] =	vst v0  }
0x9d: {  	v54 =	vld [tilespmem:s8+$0x10F20]  }
0x9e: {  	v55 =	vld [tilespmem:s8+$0x8F30]  }
0x9f: {  	v56 =	vld [tilespmem:s8+$0x10F30]  }
0xa0: {  	v57 =	vld [tilespmem:s8+$0x8F40]  }
0xa1: {  	v58 =	vld [tilespmem:s8+$0x10F40]  }
0xa2: {  	v59 =	vld [tilespmem:s8+$0x8F50]  }
0xa3: {  	v53 =	vadd.f32 v6, v1;
	v60 =	vld [tilespmem:s8+$0x10F50]  }
0xa4: {  	v61 =	vld [tilespmem:s8+$0x8F60];
	v3 =	vadd.f32 v51, v7  }
0xa5: {  	v62 =	vld [tilespmem:s8+$0x10F60];
	[tilespmem:s8+$0x18F70] =	vst v53;
	v2 =	vadd.f32 v2, v5  }
0xa6: {  	[tilespmem:s8+$0x18F00] =	vst v3;
	v1 =	vadd.f32 v54, v52  }
0xa7: {  	[tilespmem:s8+$0x18F10] =	vst v2;
	v0 =	vadd.f32 v56, v55  }
0xa8: {  	v3 =	vadd.f32 v58, v57;
	[tilespmem:s8+$0x18F20] =	vst v1  }
0xa9: {  	v63 =	vadd.f32 v60, v59;
	[tilespmem:s8+$0x18F30] =	vst v0  }
0xaa: {  	[tilespmem:s8+$0x18F40] =	vst v3;
	v1 =	vadd.f32 v62, v61  }
0xab: {  	[tilespmem:s8+$0x18F50] =	vst v63  }
0xac: {  	[tilespmem:s8+$0x18F60] =	vst v1  }
0xad: {  	[hbm4b:s13+s3] =	stream.linear.scatter [tilespmem:s29], [sflag:$0x4], $0x4000, $0x38;
	[tilespmem:$0x1CF00] =	vst v63  }
.Ltmp4:
0xae: {  	_ = 	snop;
	(pc) =	sbr.rel .LBB2_6-.Ltmp4, $4  }
0xaf: {  	s30 =	simm.s32 $0x180  }
0xb0: {  	[tilespmem:s20], [sflag:$0x2] =	stream.indirect.gather [hbm4b:s1+s17], $0x80, s30, s17, $0xb8;
	[tilespmem:$0x1CF00] =	vst v63  }
0xb1: {  	s31 =	simm.s32 $0x2900;
	s25 =	simm.s32 $0x1  }
0xb2: {  	[tilespmem:s22], [sflag:$0x2] =	stream.indirect.gather [hbm4b:s4+s17], $0x80, s31, s17, $0xb8;
	[tilespmem:$0x1CF00] =	vst v63  }
.LBB2_14:
0xb3: {  	s8 =	sadd.s32 $0x3, s26  }
0xb4: {  	p1 =	sge.u32 s8, s7  }
0xb5: {  	s8 =	sshll.u32 @!p1 s8, $0x7;
	s16 =	simm.s32 @!p1 $0x80;
	s26 =	simm.s32 @!p1 $0x8F00  }
0xb6: {  	[tilespmem:s26], [sflag:$0x2] =	stream.indirect.gather @!p1 [hbm4b:s1+s16], $0x80, s8, s16, $0xb8;
	[tilespmem:$0x1CF00] =	vst v63  }
0xb7: {  	s25 =	sadd.s32 $0x1, s25;
	s8 =	sadd.s32 @!p1 $0x2780, s8;
	s26 =	simm.s32 @!p1 $0x10F00  }
0xb8: {  	[tilespmem:s26], [sflag:$0x2] =	stream.indirect.gather @!p1 [hbm4b:s4+s16], $0x80, s8, s16, $0xb8;
	[tilespmem:$0x1CF00] =	vst v63  }
0xb9: {  	p1 =	sne.s32 s25, $0x29  }
.Ltmp5:
0xba: {  	_ = 	snop;
	(pc) =	sbr.rel @!p1 .LBB2_15-.Ltmp5, $1  }
0xbb: {  	_ =	sdelay $0x3  }
.LBB2_6:
0xbc: {  	s26 =	sshll.u32 s25, $0x1  }
0xbd: {  	p1 =	sge.u32 s26, s7  }
.Ltmp6:
0xbe: {  	_ = 	snop;
	(pc) =	sbr.rel @p1 .LBB2_10-.Ltmp6, $1  }
0xbf: {  	_ =	sdelay $0x3  }
0xc0: {  	_ =	swait.ge [sflag:s23], $0x4000  }
0xc1: {  	[sflag:s23] =	ssyncset.done $0x0  }
0xc2: {  	[sflag:s23] =	ssyncadd.s32 $0xFFFFC000  }
0xc3: {  	_ =	swait.ge [sflag:s23], $0x4000  }
0xc4: {  	[sflag:s23] =	ssyncset.done $0x0  }
0xc5: {  	[sflag:s23] =	ssyncadd.s32 $0xFFFFC000  }
0xc6: {  	_ =	swait.ge [sflag:s0], $0x4000  }
0xc7: {  	[sflag:s0] =	ssyncset.done $0x0  }
0xc8: {  	s30 =	simm.s32 $0x0;
	[sflag:s0] =	ssyncadd.s32 $0xFFFFC000  }
0xc9: {  	v0 =	vld [tilespmem:s30+$0x4F70]  }
0xca: {  	v1 =	vld [tilespmem:s30+$0xCF70]  }
0xcb: {  	v2 =	vld [tilespmem:s30+$0x4F00]  }
0xcc: {  	v3 =	vld [tilespmem:s30+$0xCF00]  }
0xcd: {  	v4 =	vld [tilespmem:s30+$0x4F10]  }
0xce: {  	v5 =	vld [tilespmem:s30+$0xCF10]  }
0xcf: {  	v6 =	vld [tilespmem:s30+$0x4F20]  }
0xd0: {  	v7 =	vld [tilespmem:s30+$0x4F30]  }
0xd1: {  	v0 =	vadd.f32 v1, v0;
	v1 =	vld [tilespmem:s30+$0xCF20]  }
0xd2: {  	v8 =	vld [tilespmem:s30+$0xCF30]  }
0xd3: {  	v9 =	vld [tilespmem:s30+$0xCF40];
	v2 =	vadd.f32 v3, v2  }
0xd4: {  	[tilespmem:s30+$0x14F70] =	vst v0;
	v0 =	vadd.f32 v5, v4;
	v5 =	vld [tilespmem:s30+$0x4F40]  }
0xd5: {  	v3 =	vld [tilespmem:s30+$0xCF50];
	[tilespmem:s30+$0x14F00] =	vst v2  }
0xd6: {  	v2 =	vld [tilespmem:s30+$0x4F50];
	[tilespmem:s30+$0x14F10] =	vst v0;
	v0 =	vadd.f32 v1, v6  }
0xd7: {  	v4 =	vld [tilespmem:s30+$0xCF60];
	v6 =	vadd.f32 v8, v7  }
0xd8: {  	s31 =	simm.s32 $0x80;
	[tilespmem:s30+$0x14F20] =	vst v0;
	v0 =	vld [tilespmem:s30+$0x4F60]  }
0xd9: {  	s8 =	simm.s32 $0x400;
	v5 =	vadd.f32 v9, v5;
	v1 =	vld [tilespmem:s31+$0x4F70];
	[tilespmem:s30+$0x14F30] =	vst v6  }
.LBB2_8:
0xda: {  	p1 =	sne.s32 s8, $0xFE00;
	v6 =	vld [tilespmem:s31+$0xCF70]  }
0xdb: {  	v7 =	vld [tilespmem:s31+$0x4F00];
	[tilespmem:s30+$0x14F40] =	vst v5;
	v2 =	vadd.f32 v3, v2  }
0xdc: {  	v3 =	vld [tilespmem:s31+$0xCF00]  }
0xdd: {  	v5 =	vld [tilespmem:s31+$0x4F10];
	[tilespmem:s30+$0x14F50] =	vst v2;
	v0 =	vadd.f32 v4, v0  }
0xde: {  	v2 =	vld [tilespmem:s31+$0xCF10]  }
0xdf: {  	v4 =	vld [tilespmem:s31+$0x4F20];
	v1 =	vadd.f32 v6, v1;
	[tilespmem:s30+$0x14F60] =	vst v0;
	s30 =	smov.u32 s31  }
0xe0: {  	v0 =	vld [tilespmem:s30+$0xCF20]  }
0xe1: {  	v3 =	vadd.f32 v3, v7;
	v6 =	vld [tilespmem:s30+$0x4F30];
	[tilespmem:s30+$0x14F70] =	vst v1  }
0xe2: {  	v1 =	vld [tilespmem:s30+$0xCF30]  }
0xe3: {  	[tilespmem:s30+$0x14F00] =	vst v3;
	v2 =	vadd.f32 v2, v5;
	v5 =	vld [tilespmem:s30+$0x4F40]  }
0xe4: {  	v7 =	vld [tilespmem:s30+$0xCF40]  }
.Ltmp7:
0xe5: {  	[tilespmem:s30+$0x14F10] =	vst v2;
	v0 =	vadd.f32 v0, v4;
	v2 =	vld [tilespmem:s30+$0x4F50];
	(pc) =	sbr.rel @p1 .LBB2_8-.Ltmp7, $4  }
0xe6: {  	v3 =	vld [tilespmem:s30+$0xCF50]  }
0xe7: {  	[tilespmem:s30+$0x14F20] =	vst v0;
	v6 =	vadd.f32 v1, v6;
	v0 =	vld [tilespmem:s30+$0x4F60]  }
0xe8: {  	s31 =	sshra.s32 s8, $0x2;
	v4 =	vld [tilespmem:s30+$0xCF60]  }
0xe9: {  	s8 =	sadd.s32 $0x200, s8;
	v1 =	vld [tilespmem:s31+$0x4F70];
	[tilespmem:s30+$0x14F30] =	vst v6;
	v5 =	vadd.f32 v7, v5  }
0xea: {  	v6 =	vld [tilespmem:s31+$0xCF70]  }
0xeb: {  	v7 =	vld [tilespmem:s31+$0x4F00];
	[tilespmem:s30+$0x14F40] =	vst v5;
	v2 =	vadd.f32 v3, v2  }
0xec: {  	v51 =	vld [tilespmem:s31+$0xCF00]  }
0xed: {  	v5 =	vld [tilespmem:s31+$0x4F10];
	[tilespmem:s30+$0x14F50] =	vst v2;
	v0 =	vadd.f32 v4, v0  }
0xee: {  	v2 =	vld [tilespmem:s31+$0xCF10]  }
0xef: {  	v52 =	vld [tilespmem:s31+$0x4F20];
	[tilespmem:s30+$0x14F60] =	vst v0  }
0xf0: {  	v54 =	vld [tilespmem:s31+$0xCF20]  }
0xf1: {  	v55 =	vld [tilespmem:s31+$0x4F30]  }
0xf2: {  	v56 =	vld [tilespmem:s31+$0xCF30]  }
0xf3: {  	v57 =	vld [tilespmem:s31+$0x4F40]  }
0xf4: {  	v58 =	vld [tilespmem:s31+$0xCF40]  }
0xf5: {  	v59 =	vld [tilespmem:s31+$0x4F50]  }
0xf6: {  	v53 =	vadd.f32 v6, v1;
	v60 =	vld [tilespmem:s31+$0xCF50]  }
0xf7: {  	v61 =	vld [tilespmem:s31+$0x4F60];
	v3 =	vadd.f32 v51, v7  }
0xf8: {  	v62 =	vld [tilespmem:s31+$0xCF60];
	[tilespmem:s31+$0x14F70] =	vst v53;
	v2 =	vadd.f32 v2, v5  }
0xf9: {  	[tilespmem:s31+$0x14F00] =	vst v3;
	v1 =	vadd.f32 v54, v52  }
0xfa: {  	[tilespmem:s31+$0x14F10] =	vst v2;
	v0 =	vadd.f32 v56, v55  }
0xfb: {  	v3 =	vadd.f32 v58, v57;
	[tilespmem:s31+$0x14F20] =	vst v1  }
0xfc: {  	s8 =	sadd.s32 s6, s26;
	v63 =	vadd.f32 v60, v59;
	[tilespmem:s31+$0x14F30] =	vst v0  }
0xfd: {  	s8 =	sshll.u32 s8, $0xB;
	[tilespmem:s31+$0x14F40] =	vst v3;
	v1 =	vadd.f32 v62, v61  }
0xfe: {  	s8 =	sand.u32 $0x1FFFF800, s8;
	[tilespmem:s31+$0x14F50] =	vst v63  }
0xff: {  	s8 =	sadd.s32 s5, s8;
	[tilespmem:s31+$0x14F60] =	vst v1  }
0x100: {  	[hbm4b:s8+s3] =	stream.linear.scatter [tilespmem:s24], [sflag:$0x3], $0x4000, $0x38;
	[tilespmem:$0x1CF00] =	vst v63  }
.LBB2_10:
0x101: {  	s8 =	sadd.s32 $0x2, s26  }
0x102: {  	p1 =	sge.u32 s8, s7  }
0x103: {  	s8 =	sshll.u32 @!p1 s8, $0x7;
	s16 =	simm.s32 @!p1 $0x80;
	s30 =	simm.s32 @!p1 $0x4F00  }
0x104: {  	[tilespmem:s30], [sflag:$0x1] =	stream.indirect.gather @!p1 [hbm4b:s1+s16], $0x80, s8, s16, $0xb8;
	[tilespmem:$0x1CF00] =	vst v63  }
0x105: {  	s8 =	sadd.s32 @!p1 $0x2780, s8;
	s30 =	simm.s32 @!p1 $0xCF00  }
0x106: {  	[tilespmem:s30], [sflag:$0x1] =	stream.indirect.gather @!p1 [hbm4b:s4+s16], $0x80, s8, s16, $0xb8;
	[tilespmem:$0x1CF00] =	vst v63  }
0x107: {  	s30 =	sor.u32 $0x1, s26  }
0x108: {  	p1 =	sge.u32 s30, s7  }
.Ltmp8:
0x109: {  	_ = 	snop;
	(pc) =	sbr.rel @p1 .LBB2_14-.Ltmp8, $1  }
0x10a: {  	_ =	sdelay $0x3  }
0x10b: {  	_ =	swait.ge [sflag:s28], $0x4000  }
0x10c: {  	[sflag:s28] =	ssyncset.done $0x0  }
0x10d: {  	[sflag:s28] =	ssyncadd.s32 $0xFFFFC000  }
0x10e: {  	_ =	swait.ge [sflag:s28], $0x4000  }
0x10f: {  	[sflag:s28] =	ssyncset.done $0x0  }
0x110: {  	[sflag:s28] =	ssyncadd.s32 $0xFFFFC000  }
0x111: {  	_ =	swait.ge [sflag:s2], $0x4000  }
0x112: {  	[sflag:s2] =	ssyncset.done $0x0  }
0x113: {  	s31 =	simm.s32 $0x0;
	[sflag:s2] =	ssyncadd.s32 $0xFFFFC000  }
0x114: {  	v0 =	vld [tilespmem:s31+$0x8F70]  }
0x115: {  	v1 =	vld [tilespmem:s31+$0x10F70]  }
0x116: {  	v2 =	vld [tilespmem:s31+$0x8F00]  }
0x117: {  	v3 =	vld [tilespmem:s31+$0x10F00]  }
0x118: {  	v4 =	vld [tilespmem:s31+$0x8F10]  }
0x119: {  	v5 =	vld [tilespmem:s31+$0x10F10]  }
0x11a: {  	v6 =	vld [tilespmem:s31+$0x8F20]  }
0x11b: {  	v7 =	vld [tilespmem:s31+$0x8F30]  }
0x11c: {  	v0 =	vadd.f32 v1, v0;
	v1 =	vld [tilespmem:s31+$0x10F20]  }
0x11d: {  	v8 =	vld [tilespmem:s31+$0x10F30]  }
0x11e: {  	v9 =	vld [tilespmem:s31+$0x10F40];
	v2 =	vadd.f32 v3, v2  }
0x11f: {  	[tilespmem:s31+$0x18F70] =	vst v0;
	v0 =	vadd.f32 v5, v4;
	v5 =	vld [tilespmem:s31+$0x8F40]  }
0x120: {  	v3 =	vld [tilespmem:s31+$0x10F50];
	[tilespmem:s31+$0x18F00] =	vst v2  }
0x121: {  	v2 =	vld [tilespmem:s31+$0x8F50];
	[tilespmem:s31+$0x18F10] =	vst v0;
	v0 =	vadd.f32 v1, v6  }
0x122: {  	v4 =	vld [tilespmem:s31+$0x10F60];
	v6 =	vadd.f32 v8, v7  }
0x123: {  	s8 =	simm.s32 $0x80;
	[tilespmem:s31+$0x18F20] =	vst v0;
	v0 =	vld [tilespmem:s31+$0x8F60]  }
0x124: {  	s16 =	simm.s32 $0x400;
	v5 =	vadd.f32 v9, v5;
	v1 =	vld [tilespmem:s8+$0x8F70];
	[tilespmem:s31+$0x18F30] =	vst v6  }
.LBB2_12:
0x125: {  	p1 =	sne.s32 s16, $0xFE00;
	v6 =	vld [tilespmem:s8+$0x10F70]  }
0x126: {  	v7 =	vld [tilespmem:s8+$0x8F00];
	[tilespmem:s31+$0x18F40] =	vst v5;
	v2 =	vadd.f32 v3, v2  }
0x127: {  	v3 =	vld [tilespmem:s8+$0x10F00]  }
0x128: {  	v5 =	vld [tilespmem:s8+$0x8F10];
	[tilespmem:s31+$0x18F50] =	vst v2;
	v0 =	vadd.f32 v4, v0  }
0x129: {  	v2 =	vld [tilespmem:s8+$0x10F10]  }
0x12a: {  	v4 =	vld [tilespmem:s8+$0x8F20];
	v1 =	vadd.f32 v6, v1;
	[tilespmem:s31+$0x18F60] =	vst v0;
	s31 =	smov.u32 s8  }
0x12b: {  	v0 =	vld [tilespmem:s31+$0x10F20]  }
0x12c: {  	v3 =	vadd.f32 v3, v7;
	v6 =	vld [tilespmem:s31+$0x8F30];
	[tilespmem:s31+$0x18F70] =	vst v1  }
0x12d: {  	v1 =	vld [tilespmem:s31+$0x10F30]  }
0x12e: {  	[tilespmem:s31+$0x18F00] =	vst v3;
	v2 =	vadd.f32 v2, v5;
	v5 =	vld [tilespmem:s31+$0x8F40]  }
0x12f: {  	v7 =	vld [tilespmem:s31+$0x10F40]  }
.Ltmp9:
0x130: {  	[tilespmem:s31+$0x18F10] =	vst v2;
	v0 =	vadd.f32 v0, v4;
	v2 =	vld [tilespmem:s31+$0x8F50];
	(pc) =	sbr.rel @p1 .LBB2_12-.Ltmp9, $4  }
0x131: {  	v3 =	vld [tilespmem:s31+$0x10F50]  }
0x132: {  	[tilespmem:s31+$0x18F20] =	vst v0;
	v6 =	vadd.f32 v1, v6;
	v0 =	vld [tilespmem:s31+$0x8F60]  }
0x133: {  	s8 =	sshra.s32 s16, $0x2;
	v4 =	vld [tilespmem:s31+$0x10F60]  }
0x134: {  	s16 =	sadd.s32 $0x200, s16;
	v1 =	vld [tilespmem:s8+$0x8F70];
	[tilespmem:s31+$0x18F30] =	vst v6;
	v5 =	vadd.f32 v7, v5  }
0x135: {  	v6 =	vld [tilespmem:s8+$0x10F70]  }
0x136: {  	v7 =	vld [tilespmem:s8+$0x8F00];
	[tilespmem:s31+$0x18F40] =	vst v5;
	v2 =	vadd.f32 v3, v2  }
0x137: {  	v51 =	vld [tilespmem:s8+$0x10F00]  }
0x138: {  	v5 =	vld [tilespmem:s8+$0x8F10];
	[tilespmem:s31+$0x18F50] =	vst v2;
	v0 =	vadd.f32 v4, v0  }
0x139: {  	v2 =	vld [tilespmem:s8+$0x10F10]  }
0x13a: {  	v52 =	vld [tilespmem:s8+$0x8F20];
	[tilespmem:s31+$0x18F60] =	vst v0  }
0x13b: {  	v54 =	vld [tilespmem:s8+$0x10F20]  }
0x13c: {  	v55 =	vld [tilespmem:s8+$0x8F30]  }
0x13d: {  	v56 =	vld [tilespmem:s8+$0x10F30]  }
0x13e: {  	v57 =	vld [tilespmem:s8+$0x8F40]  }
0x13f: {  	v58 =	vld [tilespmem:s8+$0x10F40]  }
0x140: {  	v59 =	vld [tilespmem:s8+$0x8F50]  }
0x141: {  	v53 =	vadd.f32 v6, v1;
	v60 =	vld [tilespmem:s8+$0x10F50]  }
0x142: {  	v61 =	vld [tilespmem:s8+$0x8F60];
	v3 =	vadd.f32 v51, v7  }
0x143: {  	v62 =	vld [tilespmem:s8+$0x10F60];
	[tilespmem:s8+$0x18F70] =	vst v53;
	v2 =	vadd.f32 v2, v5  }
0x144: {  	[tilespmem:s8+$0x18F00] =	vst v3;
	v1 =	vadd.f32 v54, v52  }
0x145: {  	[tilespmem:s8+$0x18F10] =	vst v2;
	v0 =	vadd.f32 v56, v55  }
0x146: {  	v3 =	vadd.f32 v58, v57;
	[tilespmem:s8+$0x18F20] =	vst v1  }
.Ltmp10:
0x147: {  	s16 =	sadd.s32 s6, s30;
	v63 =	vadd.f32 v60, v59;
	[tilespmem:s8+$0x18F30] =	vst v0;
	(pc) =	sbr.rel .LBB2_14-.Ltmp10, $4  }
0x148: {  	s16 =	sshll.u32 s16, $0xB;
	[tilespmem:s8+$0x18F40] =	vst v3;
	v1 =	vadd.f32 v62, v61  }
0x149: {  	s16 =	sand.u32 $0x1FFFF800, s16;
	[tilespmem:s8+$0x18F50] =	vst v63  }
0x14a: {  	s31 =	sadd.s32 s5, s16;
	[tilespmem:s8+$0x18F60] =	vst v1  }
0x14b: {  	[hbm4b:s31+s3] =	stream.linear.scatter [tilespmem:s29], [sflag:$0x4], $0x4000, $0x38;
	[tilespmem:$0x1CF00] =	vst v63  }
.LBB2_16:
0x14c: {  	_ =	sfence.sel $0x180000  }
0x14d: {  	[bflag:$0x0] =	sbarrier.arrive $0xFFFF  }
0x14e: {  	_ =	strace $0x90000047  }
0x14f: {  	s0 =	stileid.u32;
	[bflag:$0x2] =	sbarrier.arrive $0xFFFF  }
0x150: {  	p0 =	sne.s32 s0, $0x0;
	s0 =	rddreg [dreg:$0x2]  }
0x151: {  	s0 =	sadd.s32 @!p0 $0x100000, s0  }
0x152: {  	[sflag:s0] =	ssyncadd.tile.s32 @!p0 $0x1;
	_ =	shalt  }
.Lfunc_end2:
_tile_overlayer_lowered:
.L_overlay_start_2:
0x153: {  	(tag) =	ssettag $0x2  }
0x154: {  	s0 =	rddreg [dreg:$0x0];
	s2 =	stileid.u32  }
0x155: {  	s1 =	rddreg [dreg:$0x1];
	p0 =	sne.s32 s2, $0x0  }
0x156: {  	s3 =	rddreg [dreg:$0x2];
	[bflag:$0x3] =	sbarrier.arrive $0xFFFF;
	s2 =	simm.s32 @!p0 $0x1C05  }
0x157: {  	[timem:s3], [sflag:s2] =	dma.local @!p0 [hbm:s0], s1  }
0x158: {  	s0 =	simm.s32 @!p0 $0x5  }
0x159: {  	_ =	swait.ge @!p0 [sflag:s0], s1  }
0x15a: {  	s1 =	ssub.s32 @!p0 $0x0, s1;
	[sflag:s0] =	ssyncset.done @!p0 $0x0  }
0x15b: {  	[sflag:s0] =	ssyncadd.s32 @!p0 s1  }
0x15c: {  	[bflag:$0x3] =	sbarrier.arrive $0xFFFF  }
0x15d: {  	_ =	shalt  }

</sc_bundles>
